<compile_context>
chip_gen: v7x
topology: tpu7x:2x2x1
jax: 0.10.2.dev20260603
libtpu: 0.0.44.dev20260713+nightly
codegen_flags: <defaults>
</compile_context>

<pallas_src>
import functools

import jax
import jax.numpy as jnp
from jax import lax
from jax.experimental import pallas as pl
from jax.experimental.pallas import tpu as pltpu
from jax.experimental.pallas import tpu_sc as plsc



def _make_gather_sum(vocab_rows, emb, batch, ctx):
  info = plsc.get_sparse_core_info()
  nc, ns = info.num_cores, info.num_subcores
  nw = nc * ns
  bpw = batch // nw
  ipw = bpw * ctx
  chunk = 128
  nchunk = ipw // chunk
  assert ipw % chunk == 0

  mesh = plsc.VectorSubcoreMesh(core_axis_name="c", subcore_axis_name="s")

  @functools.partial(
      pl.kernel,
      mesh=mesh,
      out_type=jax.ShapeDtypeStruct((batch, emb), jnp.float32),
      compiler_params=pltpu.CompilerParams(use_tc_tiling_on_sc=False),
      scratch_types=[
          pltpu.VMEM((nchunk, chunk), jnp.int32),
          pltpu.VMEM((ipw, emb), jnp.float32),
          pltpu.VMEM((bpw, emb), jnp.float32),
          pltpu.SemaphoreType.DMA,
      ],
  )
  def gather_sum(idx_hbm, table_hbm, out_hbm, idx_v, rows_v, acc_v, sem):
    wid = lax.axis_index("s") * nc + lax.axis_index("c")
    pltpu.sync_copy(idx_hbm.at[wid], idx_v)
    copies = []
    for j in range(nchunk):
      copies.append(
          pltpu.async_copy(
              table_hbm.at[idx_v.at[j]],
              rows_v.at[pl.ds(j * chunk, chunk)],
              sem,
          ))
    for c in copies:
      c.wait()

    def body(i, carry):
      for jj in range(emb // 16):
        sl = pl.ds(jj * 16, 16)
        acc = rows_v[i * ctx, sl]
        for c in range(1, ctx):
          acc = acc + rows_v[i * ctx + c, sl]
        acc_v[i, sl] = acc
      return carry

    lax.fori_loop(0, bpw, body, 0)
    pltpu.sync_copy(acc_v, out_hbm.at[pl.ds(wid * bpw, bpw)])

  return gather_sum



_TV_STATS = 2048
_TV_PROJ = 2048
_LOG2E = 1.4426950408889634


def _fused_body(nvs, embs_ref, emb_ref, w_ref, out_ref, m_ref, s_ref,
                logz_ref):
  v = pl.program_id(0)

  @pl.when(v == 0)
  def _():
    m_ref[...] = jnp.full_like(m_ref, -jnp.inf)
    s_ref[...] = jnp.zeros_like(s_ref)

  @pl.when(v < nvs)
  def _():
    logits2 = lax.dot_general(
        w_ref[...], embs_ref[...],
        dimension_numbers=(((0,), (0,)), ((), ())),
        preferred_element_type=jnp.float32,
    )
    tile_max = jnp.max(logits2, axis=0, keepdims=True)
    m_old = m_ref[...]
    m_new = jnp.maximum(m_old, tile_max)
    s_ref[...] = (s_ref[...] * jnp.exp2(m_old - m_new)
                  + jnp.sum(jnp.exp2(logits2 - m_new), axis=0, keepdims=True))
    m_ref[...] = m_new

  @pl.when(v == nvs - 1)
  def _():
    logz_ref[...] = (m_ref[...] + jnp.log2(s_ref[...])) * (1.0 / _LOG2E)

  @pl.when(v >= nvs)
  def _():
    acc = lax.dot_general(
        w_ref[...], emb_ref[...],
        dimension_numbers=(((0,), (0,)), ((), ())),
        preferred_element_type=jnp.float32,
    )
    out_ref[...] = acc - logz_ref[...]


def _log_softmax_linear(embeds, W, b):
  batch, emb = embeds.shape
  vocab = W.shape[0]
  nvs = pl.cdiv(vocab, _TV_STATS)
  nvp = pl.cdiv(vocab, _TV_PROJ)
  vtot = max(nvs * _TV_STATS, nvp * _TV_PROJ)
  vpad = vtot - vocab

  wt_aug = jnp.concatenate(
      [jnp.pad(W.T, ((0, 0), (0, vpad))),
       jnp.pad(b, (0, vpad), constant_values=-1e30).reshape(1, -1)],
      axis=0)
  ones_row = jnp.ones((1, batch), jnp.float32)
  emb_aug = jnp.concatenate([embeds.T, ones_row], axis=0)
  emb_aug_s = emb_aug * _LOG2E

  out_t = pl.pallas_call(
      functools.partial(_fused_body, nvs),
      grid=(nvs + nvp,),
      in_specs=[
          pl.BlockSpec((emb + 1, batch), lambda v: (0, 0)),
          pl.BlockSpec((emb + 1, batch), lambda v: (0, 0)),
          pl.BlockSpec((emb + 1, _TV_STATS),
                       lambda v: (0, jnp.where(v < nvs, v, v - nvs))),
      ],
      out_specs=pl.BlockSpec((_TV_PROJ, batch),
                             lambda v: (jnp.where(v < nvs, 0, v - nvs), 0)),
      out_shape=jax.ShapeDtypeStruct((vocab, batch), jnp.float32),
      scratch_shapes=[
          pltpu.VMEM((1, batch), jnp.float32),
          pltpu.VMEM((1, batch), jnp.float32),
          pltpu.VMEM((1, batch), jnp.float32),
      ],
      compiler_params=pltpu.CompilerParams(
          dimension_semantics=("arbitrary",)),
  )(emb_aug_s, emb_aug, wt_aug)
  return out_t.T


def kernel(inputs, emb_table, W, b):
  ctx, batch = inputs.shape
  vocab, emb = emb_table.shape
  idx = inputs.T.reshape(32, -1, 128)
  embeds = _make_gather_sum(vocab, emb, batch, ctx)(idx, emb_table)
  return _log_softmax_linear(embeds, W, b)

# --- scband reference (transcript-rebuilt; emitter-appended) ---
"""Pipeline reference for scband-cbow-90915867722280 (READ-ONLY COPY).

The authoritative reference and input builder live on the scoring server;
editing this copy changes nothing except your own understanding.
"""

import jax, jax.numpy as jnp
import numpy as np

VOCAB = 100000
EMB = 64
CTX_LEN = 20
BATCH = 1024

def setup_inputs(seed: int = 0) -> dict:
    key = jax.random.key(seed)
    k_idx, k_emb, k_w, k_b = jax.random.split(key, 4)
    inputs = jax.random.randint(k_idx, (CTX_LEN, BATCH), 0, VOCAB + 1, dtype=jnp.int64 if jax.config.jax_enable_x64 else jnp.int32).astype(jnp.int32)
    # learned parameters
    emb_table = jax.random.normal(k_emb, (VOCAB + 1, EMB), dtype=jnp.float32)
    # torch nn.Linear weight: [out_features, in_features]
    lim = 1.0 / np.sqrt(EMB)
    W = jax.random.uniform(k_w, (VOCAB + 1, EMB), dtype=jnp.float32, minval=-lim, maxval=lim)
    b = jax.random.uniform(k_b, (VOCAB + 1,), dtype=jnp.float32, minval=-lim, maxval=lim)
    return {"inputs": inputs, "emb_table": emb_table, "W": W, "b": b}

def reference(inputs, emb_table, W, b):
    # lookup_embeds = self.embeddings(inputs)  -> gather
    lookup_embeds = jnp.take(emb_table, inputs, axis=0)  # [CTX_LEN, BATCH, EMB]
    # embeds = lookup_embeds.sum(dim=0)
    embeds = lookup_embeds.sum(axis=0)  # [BATCH, EMB]
    # out = self.linear1(embeds)
    out = embeds @ W.T + b  # [BATCH, VOCAB+1]
    # F.log_softmax (torch default picks last dim for 2D input)
    out = jax.nn.log_softmax(out, axis=-1)
    return out

if __name__ == "__main__":
    import jax
    _d = setup_inputs()
    print(jax.jit(kernel)(*tuple(_d.values())))

</pallas_src>

<mosaic_0001>
#map = affine_map<(d0, d1) -> (0, 0, 0)>
#map1 = affine_map<(d0, d1) -> (0, 0)>
module attributes {stable_mosaic.version = 14 : i64} {
  func.func @gather_sum(%arg0: i32, %arg1: i32, %arg2: memref<32x5x128xi32, #tpu.memory_space<hbm>>, %arg3: memref<100001x64xf32, #tpu.memory_space<hbm>>, %arg4: memref<1024x64xf32, #tpu.memory_space<hbm>>, %arg5: memref<5x128xi32, #tpu.memory_space<vmem>>, %arg6: memref<640x64xf32, #tpu.memory_space<vmem>>, %arg7: memref<32x64xf32, #tpu.memory_space<vmem>>, %arg8: memref<!tpu.dma_semaphore, #tpu.memory_space<semaphore_mem>>) attributes {dimension_semantics = [#tpu.dimension_semantics<core_parallel>, #tpu.dimension_semantics<subcore_parallel>], iteration_bounds = array<i64: 2, 16>, scalar_prefetch = 0 : i64, scratch_operands = 4 : i64, tpu.core_type = #tpu.core_type<sc_vector_subcore>, window_params = [{transform_indices = #map}, {transform_indices = #map1}, {transform_indices = #map1}]} {
    %mul3A = arith.constant 2 : i32
    %mul3A_0 = arith.muli %arg1, %mul3A : i32
    %add3A = arith.addi %mul3A_0, %arg0 : i32
    "tpu.region"() ({
      %run_scoped3A = tpu.sem_alloc : memref<!tpu.dma_semaphore, #tpu.memory_space<semaphore_mem>>
      %dma_start3A_106 = arith.constant 0 : i32
      %dma_start3A_107 = arith.constant 0 : i32
      %dma_start3A_108 = tpu.memref_slice %arg2[%add3A, %dma_start3A_106, %dma_start3A_107] : memref<32x5x128xi32, #tpu.memory_space<hbm>> -> memref<1x5x128xi32, #tpu.memory_space<hbm>>
      %dma_start3A_109 = tpu.memref_squeeze %dma_start3A_108 : memref<1x5x128xi32, #tpu.memory_space<hbm>> -> memref<5x128xi32, #tpu.memory_space<hbm>>
      %dma_start3A_110 = arith.constant 0 : i32
      %dma_start3A_111 = arith.constant 0 : i32
      %dma_start3A_112 = tpu.memref_slice %arg2[%add3A, %dma_start3A_110, %dma_start3A_111] : memref<32x5x128xi32, #tpu.memory_space<hbm>> -> memref<1x5x128xi32, #tpu.memory_space<hbm>>
      %dma_start3A_113 = tpu.memref_squeeze %dma_start3A_112 : memref<1x5x128xi32, #tpu.memory_space<hbm>> -> memref<5x128xi32, #tpu.memory_space<hbm>>
      tpu.enqueue_dma source(%dma_start3A_113 : memref<5x128xi32, #tpu.memory_space<hbm>>) target(%arg5 : memref<5x128xi32, #tpu.memory_space<vmem>>) target_semaphore(%run_scoped3A : memref<!tpu.dma_semaphore, #tpu.memory_space<semaphore_mem>>)
      %dma_wait3A_114 = arith.constant 0 : i32
      %dma_wait3A_115 = arith.constant 0 : i32
      %dma_wait3A_116 = tpu.memref_slice %arg2[%add3A, %dma_wait3A_114, %dma_wait3A_115] : memref<32x5x128xi32, #tpu.memory_space<hbm>> -> memref<1x5x128xi32, #tpu.memory_space<hbm>>
      %dma_wait3A_117 = tpu.memref_squeeze %dma_wait3A_116 : memref<1x5x128xi32, #tpu.memory_space<hbm>> -> memref<5x128xi32, #tpu.memory_space<hbm>>
      %dma_wait3A_118 = arith.constant 0 : i32
      %dma_wait3A_119 = arith.constant 0 : i32
      %dma_wait3A_120 = tpu.memref_slice %arg2[%add3A, %dma_wait3A_118, %dma_wait3A_119] : memref<32x5x128xi32, #tpu.memory_space<hbm>> -> memref<1x5x128xi32, #tpu.memory_space<hbm>>
      %dma_wait3A_121 = tpu.memref_squeeze %dma_wait3A_120 : memref<1x5x128xi32, #tpu.memory_space<hbm>> -> memref<5x128xi32, #tpu.memory_space<hbm>>
      tpu.wait_dma2 semaphore(%run_scoped3A : memref<!tpu.dma_semaphore, #tpu.memory_space<semaphore_mem>>) src(%dma_wait3A_121 : memref<5x128xi32, #tpu.memory_space<hbm>>) dst(%arg5 : memref<5x128xi32, #tpu.memory_space<vmem>>)
      tpu.yield
    }) : () -> ()
    %dma_start3A = arith.constant 0 : i32
    %dma_start3A_1 = arith.constant 0 : i32
    %dma_start3A_2 = arith.constant 0 : i32
    %dma_start3A_3 = tpu.memref_slice %arg6[%dma_start3A_1, %dma_start3A_2] : memref<640x64xf32, #tpu.memory_space<vmem>> -> memref<128x64xf32, #tpu.memory_space<vmem>>
    %dma_start3A_4 = arith.constant 0 : i32
    %dma_start3A_5 = tpu.memref_slice %arg5[%dma_start3A, %dma_start3A_4] : memref<5x128xi32, #tpu.memory_space<vmem>> -> memref<1x128xi32, #tpu.memory_space<vmem>>
    %dma_start3A_6 = tpu.memref_squeeze %dma_start3A_5 : memref<1x128xi32, #tpu.memory_space<vmem>> -> memref<128xi32, #tpu.memory_space<vmem>>
    %dma_start3A_7 = arith.constant 0 : i32
    %dma_start3A_8 = arith.constant 0 : i32
    %dma_start3A_9 = tpu.memref_slice %arg3[%dma_start3A_7, %dma_start3A_8] : memref<100001x64xf32, #tpu.memory_space<hbm>> -> memref<100001x64xf32, #tpu.memory_space<hbm>>
    tpu.enqueue_indirect_dma source(%dma_start3A_9 : memref<100001x64xf32, #tpu.memory_space<hbm>>) target(%dma_start3A_3 : memref<128x64xf32, #tpu.memory_space<vmem>>) offsets(%dma_start3A_6 : memref<128xi32, #tpu.memory_space<vmem>>) semaphore(%arg8 : memref<!tpu.dma_semaphore, #tpu.memory_space<semaphore_mem>>)
    %dma_start3A_10 = arith.constant 1 : i32
    %dma_start3A_11 = arith.constant 128 : i32
    %dma_start3A_12 = arith.constant 0 : i32
    %dma_start3A_13 = tpu.memref_slice %arg6[%dma_start3A_11, %dma_start3A_12] : memref<640x64xf32, #tpu.memory_space<vmem>> -> memref<128x64xf32, #tpu.memory_space<vmem>>
    %dma_start3A_14 = arith.constant 0 : i32
    %dma_start3A_15 = tpu.memref_slice %arg5[%dma_start3A_10, %dma_start3A_14] : memref<5x128xi32, #tpu.memory_space<vmem>> -> memref<1x128xi32, #tpu.memory_space<vmem>>
    %dma_start3A_16 = tpu.memref_squeeze %dma_start3A_15 : memref<1x128xi32, #tpu.memory_space<vmem>> -> memref<128xi32, #tpu.memory_space<vmem>>
    %dma_start3A_17 = arith.constant 0 : i32
    %dma_start3A_18 = arith.constant 0 : i32
    %dma_start3A_19 = tpu.memref_slice %arg3[%dma_start3A_17, %dma_start3A_18] : memref<100001x64xf32, #tpu.memory_space<hbm>> -> memref<100001x64xf32, #tpu.memory_space<hbm>>
    tpu.enqueue_indirect_dma source(%dma_start3A_19 : memref<100001x64xf32, #tpu.memory_space<hbm>>) target(%dma_start3A_13 : memref<128x64xf32, #tpu.memory_space<vmem>>) offsets(%dma_start3A_16 : memref<128xi32, #tpu.memory_space<vmem>>) semaphore(%arg8 : memref<!tpu.dma_semaphore, #tpu.memory_space<semaphore_mem>>)
    %dma_start3A_20 = arith.constant 2 : i32
    %dma_start3A_21 = arith.constant 256 : i32
    %dma_start3A_22 = arith.constant 0 : i32
    %dma_start3A_23 = tpu.memref_slice %arg6[%dma_start3A_21, %dma_start3A_22] : memref<640x64xf32, #tpu.memory_space<vmem>> -> memref<128x64xf32, #tpu.memory_space<vmem>>
    %dma_start3A_24 = arith.constant 0 : i32
    %dma_start3A_25 = tpu.memref_slice %arg5[%dma_start3A_20, %dma_start3A_24] : memref<5x128xi32, #tpu.memory_space<vmem>> -> memref<1x128xi32, #tpu.memory_space<vmem>>
    %dma_start3A_26 = tpu.memref_squeeze %dma_start3A_25 : memref<1x128xi32, #tpu.memory_space<vmem>> -> memref<128xi32, #tpu.memory_space<vmem>>
    %dma_start3A_27 = arith.constant 0 : i32
    %dma_start3A_28 = arith.constant 0 : i32
    %dma_start3A_29 = tpu.memref_slice %arg3[%dma_start3A_27, %dma_start3A_28] : memref<100001x64xf32, #tpu.memory_space<hbm>> -> memref<100001x64xf32, #tpu.memory_space<hbm>>
    tpu.enqueue_indirect_dma source(%dma_start3A_29 : memref<100001x64xf32, #tpu.memory_space<hbm>>) target(%dma_start3A_23 : memref<128x64xf32, #tpu.memory_space<vmem>>) offsets(%dma_start3A_26 : memref<128xi32, #tpu.memory_space<vmem>>) semaphore(%arg8 : memref<!tpu.dma_semaphore, #tpu.memory_space<semaphore_mem>>)
    %dma_start3A_30 = arith.constant 3 : i32
    %dma_start3A_31 = arith.constant 384 : i32
    %dma_start3A_32 = arith.constant 0 : i32
    %dma_start3A_33 = tpu.memref_slice %arg6[%dma_start3A_31, %dma_start3A_32] : memref<640x64xf32, #tpu.memory_space<vmem>> -> memref<128x64xf32, #tpu.memory_space<vmem>>
    %dma_start3A_34 = arith.constant 0 : i32
    %dma_start3A_35 = tpu.memref_slice %arg5[%dma_start3A_30, %dma_start3A_34] : memref<5x128xi32, #tpu.memory_space<vmem>> -> memref<1x128xi32, #tpu.memory_space<vmem>>
    %dma_start3A_36 = tpu.memref_squeeze %dma_start3A_35 : memref<1x128xi32, #tpu.memory_space<vmem>> -> memref<128xi32, #tpu.memory_space<vmem>>
    %dma_start3A_37 = arith.constant 0 : i32
    %dma_start3A_38 = arith.constant 0 : i32
    %dma_start3A_39 = tpu.memref_slice %arg3[%dma_start3A_37, %dma_start3A_38] : memref<100001x64xf32, #tpu.memory_space<hbm>> -> memref<100001x64xf32, #tpu.memory_space<hbm>>
    tpu.enqueue_indirect_dma source(%dma_start3A_39 : memref<100001x64xf32, #tpu.memory_space<hbm>>) target(%dma_start3A_33 : memref<128x64xf32, #tpu.memory_space<vmem>>) offsets(%dma_start3A_36 : memref<128xi32, #tpu.memory_space<vmem>>) semaphore(%arg8 : memref<!tpu.dma_semaphore, #tpu.memory_space<semaphore_mem>>)
    %dma_start3A_40 = arith.constant 4 : i32
    %dma_start3A_41 = arith.constant 512 : i32
    %dma_start3A_42 = arith.constant 0 : i32
    %dma_start3A_43 = tpu.memref_slice %arg6[%dma_start3A_41, %dma_start3A_42] : memref<640x64xf32, #tpu.memory_space<vmem>> -> memref<128x64xf32, #tpu.memory_space<vmem>>
    %dma_start3A_44 = arith.constant 0 : i32
    %dma_start3A_45 = tpu.memref_slice %arg5[%dma_start3A_40, %dma_start3A_44] : memref<5x128xi32, #tpu.memory_space<vmem>> -> memref<1x128xi32, #tpu.memory_space<vmem>>
    %dma_start3A_46 = tpu.memref_squeeze %dma_start3A_45 : memref<1x128xi32, #tpu.memory_space<vmem>> -> memref<128xi32, #tpu.memory_space<vmem>>
    %dma_start3A_47 = arith.constant 0 : i32
    %dma_start3A_48 = arith.constant 0 : i32
    %dma_start3A_49 = tpu.memref_slice %arg3[%dma_start3A_47, %dma_start3A_48] : memref<100001x64xf32, #tpu.memory_space<hbm>> -> memref<100001x64xf32, #tpu.memory_space<hbm>>
    tpu.enqueue_indirect_dma source(%dma_start3A_49 : memref<100001x64xf32, #tpu.memory_space<hbm>>) target(%dma_start3A_43 : memref<128x64xf32, #tpu.memory_space<vmem>>) offsets(%dma_start3A_46 : memref<128xi32, #tpu.memory_space<vmem>>) semaphore(%arg8 : memref<!tpu.dma_semaphore, #tpu.memory_space<semaphore_mem>>)
    %dma_wait3A = arith.constant 0 : i32
    %dma_wait3A_50 = arith.constant 0 : i32
    %dma_wait3A_51 = arith.constant 0 : i32
    %dma_wait3A_52 = tpu.memref_slice %arg6[%dma_wait3A_50, %dma_wait3A_51] : memref<640x64xf32, #tpu.memory_space<vmem>> -> memref<128x64xf32, #tpu.memory_space<vmem>>
    %dma_wait3A_53 = arith.constant 0 : i32
    %dma_wait3A_54 = tpu.memref_slice %arg5[%dma_wait3A, %dma_wait3A_53] : memref<5x128xi32, #tpu.memory_space<vmem>> -> memref<1x128xi32, #tpu.memory_space<vmem>>
    %dma_wait3A_55 = tpu.memref_squeeze %dma_wait3A_54 : memref<1x128xi32, #tpu.memory_space<vmem>> -> memref<128xi32, #tpu.memory_space<vmem>>
    %dma_wait3A_56 = arith.constant 0 : i32
    %dma_wait3A_57 = arith.constant 0 : i32
    %dma_wait3A_58 = tpu.memref_slice %arg3[%dma_wait3A_56, %dma_wait3A_57] : memref<100001x64xf32, #tpu.memory_space<hbm>> -> memref<100001x64xf32, #tpu.memory_space<hbm>>
    tpu.wait_indirect_dma semaphore(%arg8 : memref<!tpu.dma_semaphore, #tpu.memory_space<semaphore_mem>>) src(%dma_wait3A_58 : memref<100001x64xf32, #tpu.memory_space<hbm>>) dst(%dma_wait3A_52 : memref<128x64xf32, #tpu.memory_space<vmem>>)
    %dma_wait3A_59 = arith.constant 1 : i32
    %dma_wait3A_60 = arith.constant 128 : i32
    %dma_wait3A_61 = arith.constant 0 : i32
    %dma_wait3A_62 = tpu.memref_slice %arg6[%dma_wait3A_60, %dma_wait3A_61] : memref<640x64xf32, #tpu.memory_space<vmem>> -> memref<128x64xf32, #tpu.memory_space<vmem>>
    %dma_wait3A_63 = arith.constant 0 : i32
    %dma_wait3A_64 = tpu.memref_slice %arg5[%dma_wait3A_59, %dma_wait3A_63] : memref<5x128xi32, #tpu.memory_space<vmem>> -> memref<1x128xi32, #tpu.memory_space<vmem>>
    %dma_wait3A_65 = tpu.memref_squeeze %dma_wait3A_64 : memref<1x128xi32, #tpu.memory_space<vmem>> -> memref<128xi32, #tpu.memory_space<vmem>>
    %dma_wait3A_66 = arith.constant 0 : i32
    %dma_wait3A_67 = arith.constant 0 : i32
    %dma_wait3A_68 = tpu.memref_slice %arg3[%dma_wait3A_66, %dma_wait3A_67] : memref<100001x64xf32, #tpu.memory_space<hbm>> -> memref<100001x64xf32, #tpu.memory_space<hbm>>
    tpu.wait_indirect_dma semaphore(%arg8 : memref<!tpu.dma_semaphore, #tpu.memory_space<semaphore_mem>>) src(%dma_wait3A_68 : memref<100001x64xf32, #tpu.memory_space<hbm>>) dst(%dma_wait3A_62 : memref<128x64xf32, #tpu.memory_space<vmem>>)
    %dma_wait3A_69 = arith.constant 2 : i32
    %dma_wait3A_70 = arith.constant 256 : i32
    %dma_wait3A_71 = arith.constant 0 : i32
    %dma_wait3A_72 = tpu.memref_slice %arg6[%dma_wait3A_70, %dma_wait3A_71] : memref<640x64xf32, #tpu.memory_space<vmem>> -> memref<128x64xf32, #tpu.memory_space<vmem>>
    %dma_wait3A_73 = arith.constant 0 : i32
    %dma_wait3A_74 = tpu.memref_slice %arg5[%dma_wait3A_69, %dma_wait3A_73] : memref<5x128xi32, #tpu.memory_space<vmem>> -> memref<1x128xi32, #tpu.memory_space<vmem>>
    %dma_wait3A_75 = tpu.memref_squeeze %dma_wait3A_74 : memref<1x128xi32, #tpu.memory_space<vmem>> -> memref<128xi32, #tpu.memory_space<vmem>>
    %dma_wait3A_76 = arith.constant 0 : i32
    %dma_wait3A_77 = arith.constant 0 : i32
    %dma_wait3A_78 = tpu.memref_slice %arg3[%dma_wait3A_76, %dma_wait3A_77] : memref<100001x64xf32, #tpu.memory_space<hbm>> -> memref<100001x64xf32, #tpu.memory_space<hbm>>
    tpu.wait_indirect_dma semaphore(%arg8 : memref<!tpu.dma_semaphore, #tpu.memory_space<semaphore_mem>>) src(%dma_wait3A_78 : memref<100001x64xf32, #tpu.memory_space<hbm>>) dst(%dma_wait3A_72 : memref<128x64xf32, #tpu.memory_space<vmem>>)
    %dma_wait3A_79 = arith.constant 3 : i32
    %dma_wait3A_80 = arith.constant 384 : i32
    %dma_wait3A_81 = arith.constant 0 : i32
    %dma_wait3A_82 = tpu.memref_slice %arg6[%dma_wait3A_80, %dma_wait3A_81] : memref<640x64xf32, #tpu.memory_space<vmem>> -> memref<128x64xf32, #tpu.memory_space<vmem>>
    %dma_wait3A_83 = arith.constant 0 : i32
    %dma_wait3A_84 = tpu.memref_slice %arg5[%dma_wait3A_79, %dma_wait3A_83] : memref<5x128xi32, #tpu.memory_space<vmem>> -> memref<1x128xi32, #tpu.memory_space<vmem>>
    %dma_wait3A_85 = tpu.memref_squeeze %dma_wait3A_84 : memref<1x128xi32, #tpu.memory_space<vmem>> -> memref<128xi32, #tpu.memory_space<vmem>>
    %dma_wait3A_86 = arith.constant 0 : i32
    %dma_wait3A_87 = arith.constant 0 : i32
    %dma_wait3A_88 = tpu.memref_slice %arg3[%dma_wait3A_86, %dma_wait3A_87] : memref<100001x64xf32, #tpu.memory_space<hbm>> -> memref<100001x64xf32, #tpu.memory_space<hbm>>
    tpu.wait_indirect_dma semaphore(%arg8 : memref<!tpu.dma_semaphore, #tpu.memory_space<semaphore_mem>>) src(%dma_wait3A_88 : memref<100001x64xf32, #tpu.memory_space<hbm>>) dst(%dma_wait3A_82 : memref<128x64xf32, #tpu.memory_space<vmem>>)
    %dma_wait3A_89 = arith.constant 4 : i32
    %dma_wait3A_90 = arith.constant 512 : i32
    %dma_wait3A_91 = arith.constant 0 : i32
    %dma_wait3A_92 = tpu.memref_slice %arg6[%dma_wait3A_90, %dma_wait3A_91] : memref<640x64xf32, #tpu.memory_space<vmem>> -> memref<128x64xf32, #tpu.memory_space<vmem>>
    %dma_wait3A_93 = arith.constant 0 : i32
    %dma_wait3A_94 = tpu.memref_slice %arg5[%dma_wait3A_89, %dma_wait3A_93] : memref<5x128xi32, #tpu.memory_space<vmem>> -> memref<1x128xi32, #tpu.memory_space<vmem>>
    %dma_wait3A_95 = tpu.memref_squeeze %dma_wait3A_94 : memref<1x128xi32, #tpu.memory_space<vmem>> -> memref<128xi32, #tpu.memory_space<vmem>>
    %dma_wait3A_96 = arith.constant 0 : i32
    %dma_wait3A_97 = arith.constant 0 : i32
    %dma_wait3A_98 = tpu.memref_slice %arg3[%dma_wait3A_96, %dma_wait3A_97] : memref<100001x64xf32, #tpu.memory_space<hbm>> -> memref<100001x64xf32, #tpu.memory_space<hbm>>
    tpu.wait_indirect_dma semaphore(%arg8 : memref<!tpu.dma_semaphore, #tpu.memory_space<semaphore_mem>>) src(%dma_wait3A_98 : memref<100001x64xf32, #tpu.memory_space<hbm>>) dst(%dma_wait3A_92 : memref<128x64xf32, #tpu.memory_space<vmem>>)
    %scan3A = arith.constant 0 : i32
    %scan3A_99 = arith.constant 0 : i32
    %scan3A_100 = arith.constant 32 : i32
    %scan3A_101 = arith.addi %scan3A_99, %scan3A_100 : i32
    %scan3A_102 = arith.constant 1 : i32
    scf.for %scan3A_106 = %scan3A_99 to %scan3A_101 step %scan3A_102  : i32 {
      %mul3A_107 = arith.constant 20 : i32
      %mul3A_108 = arith.muli %scan3A_106, %mul3A_107 : i32
      %get3A = arith.index_cast %mul3A_108 : i32 to index
      %get3A_109 = arith.constant 0 : index
      %get3A_110 = tpu.vector_load %arg6[%get3A, %get3A_109] {strides = array<i32>} : memref<640x64xf32, #tpu.memory_space<vmem>>, vector<1x16xf32>,
      %get3A_111 = vector.shape_cast %get3A_110 : vector<1x16xf32> to vector<16xf32>
      %mul3A_112 = arith.constant 20 : i32
      %mul3A_113 = arith.muli %scan3A_106, %mul3A_112 : i32
      %add3A_114 = arith.constant 1 : i32
      %add3A_115 = arith.addi %mul3A_113, %add3A_114 : i32
      %get3A_116 = arith.index_cast %add3A_115 : i32 to index
      %get3A_117 = arith.constant 0 : index
      %get3A_118 = tpu.vector_load %arg6[%get3A_116, %get3A_117] {strides = array<i32>} : memref<640x64xf32, #tpu.memory_space<vmem>>, vector<1x16xf32>,
      %get3A_119 = vector.shape_cast %get3A_118 : vector<1x16xf32> to vector<16xf32>
      %add3A_120 = arith.addf %get3A_111, %get3A_119 : vector<16xf32>
      %mul3A_121 = arith.constant 20 : i32
      %mul3A_122 = arith.muli %scan3A_106, %mul3A_121 : i32
      %add3A_123 = arith.constant 2 : i32
      %add3A_124 = arith.addi %mul3A_122, %add3A_123 : i32
      %get3A_125 = arith.index_cast %add3A_124 : i32 to index
      %get3A_126 = arith.constant 0 : index
      %get3A_127 = tpu.vector_load %arg6[%get3A_125, %get3A_126] {strides = array<i32>} : memref<640x64xf32, #tpu.memory_space<vmem>>, vector<1x16xf32>,
      %get3A_128 = vector.shape_cast %get3A_127 : vector<1x16xf32> to vector<16xf32>
      %add3A_129 = arith.addf %add3A_120, %get3A_128 : vector<16xf32>
      %mul3A_130 = arith.constant 20 : i32
      %mul3A_131 = arith.muli %scan3A_106, %mul3A_130 : i32
      %add3A_132 = arith.constant 3 : i32
      %add3A_133 = arith.addi %mul3A_131, %add3A_132 : i32
      %get3A_134 = arith.index_cast %add3A_133 : i32 to index
      %get3A_135 = arith.constant 0 : index
      %get3A_136 = tpu.vector_load %arg6[%get3A_134, %get3A_135] {strides = array<i32>} : memref<640x64xf32, #tpu.memory_space<vmem>>, vector<1x16xf32>,
      %get3A_137 = vector.shape_cast %get3A_136 : vector<1x16xf32> to vector<16xf32>
      %add3A_138 = arith.addf %add3A_129, %get3A_137 : vector<16xf32>
      %mul3A_139 = arith.constant 20 : i32
      %mul3A_140 = arith.muli %scan3A_106, %mul3A_139 : i32
      %add3A_141 = arith.constant 4 : i32
      %add3A_142 = arith.addi %mul3A_140, %add3A_141 : i32
      %get3A_143 = arith.index_cast %add3A_142 : i32 to index
      %get3A_144 = arith.constant 0 : index
      %get3A_145 = tpu.vector_load %arg6[%get3A_143, %get3A_144] {strides = array<i32>} : memref<640x64xf32, #tpu.memory_space<vmem>>, vector<1x16xf32>,
      %get3A_146 = vector.shape_cast %get3A_145 : vector<1x16xf32> to vector<16xf32>
      %add3A_147 = arith.addf %add3A_138, %get3A_146 : vector<16xf32>
      %mul3A_148 = arith.constant 20 : i32
      %mul3A_149 = arith.muli %scan3A_106, %mul3A_148 : i32
      %add3A_150 = arith.constant 5 : i32
      %add3A_151 = arith.addi %mul3A_149, %add3A_150 : i32
      %get3A_152 = arith.index_cast %add3A_151 : i32 to index
      %get3A_153 = arith.constant 0 : index
      %get3A_154 = tpu.vector_load %arg6[%get3A_152, %get3A_153] {strides = array<i32>} : memref<640x64xf32, #tpu.memory_space<vmem>>, vector<1x16xf32>,
      %get3A_155 = vector.shape_cast %get3A_154 : vector<1x16xf32> to vector<16xf32>
      %add3A_156 = arith.addf %add3A_147, %get3A_155 : vector<16xf32>
      %mul3A_157 = arith.constant 20 : i32
      %mul3A_158 = arith.muli %scan3A_106, %mul3A_157 : i32
      %add3A_159 = arith.constant 6 : i32
      %add3A_160 = arith.addi %mul3A_158, %add3A_159 : i32
      %get3A_161 = arith.index_cast %add3A_160 : i32 to index
      %get3A_162 = arith.constant 0 : index
      %get3A_163 = tpu.vector_load %arg6[%get3A_161, %get3A_162] {strides = array<i32>} : memref<640x64xf32, #tpu.memory_space<vmem>>, vector<1x16xf32>,
      %get3A_164 = vector.shape_cast %get3A_163 : vector<1x16xf32> to vector<16xf32>
      %add3A_165 = arith.addf %add3A_156, %get3A_164 : vector<16xf32>
      %mul3A_166 = arith.constant 20 : i32
      %mul3A_167 = arith.muli %scan3A_106, %mul3A_166 : i32
      %add3A_168 = arith.constant 7 : i32
      %add3A_169 = arith.addi %mul3A_167, %add3A_168 : i32
      %get3A_170 = arith.index_cast %add3A_169 : i32 to index
      %get3A_171 = arith.constant 0 : index
      %get3A_172 = tpu.vector_load %arg6[%get3A_170, %get3A_171] {strides = array<i32>} : memref<640x64xf32, #tpu.memory_space<vmem>>, vector<1x16xf32>,
      %get3A_173 = vector.shape_cast %get3A_172 : vector<1x16xf32> to vector<16xf32>
      %add3A_174 = arith.addf %add3A_165, %get3A_173 : vector<16xf32>
      %mul3A_175 = arith.constant 20 : i32
      %mul3A_176 = arith.muli %scan3A_106, %mul3A_175 : i32
      %add3A_177 = arith.constant 8 : i32
      %add3A_178 = arith.addi %mul3A_176, %add3A_177 : i32
      %get3A_179 = arith.index_cast %add3A_178 : i32 to index
      %get3A_180 = arith.constant 0 : index
      %get3A_181 = tpu.vector_load %arg6[%get3A_179, %get3A_180] {strides = array<i32>} : memref<640x64xf32, #tpu.memory_space<vmem>>, vector<1x16xf32>,
      %get3A_182 = vector.shape_cast %get3A_181 : vector<1x16xf32> to vector<16xf32>
      %add3A_183 = arith.addf %add3A_174, %get3A_182 : vector<16xf32>
      %mul3A_184 = arith.constant 20 : i32
      %mul3A_185 = arith.muli %scan3A_106, %mul3A_184 : i32
      %add3A_186 = arith.constant 9 : i32
      %add3A_187 = arith.addi %mul3A_185, %add3A_186 : i32
      %get3A_188 = arith.index_cast %add3A_187 : i32 to index
      %get3A_189 = arith.constant 0 : index
      %get3A_190 = tpu.vector_load %arg6[%get3A_188, %get3A_189] {strides = array<i32>} : memref<640x64xf32, #tpu.memory_space<vmem>>, vector<1x16xf32>,
      %get3A_191 = vector.shape_cast %get3A_190 : vector<1x16xf32> to vector<16xf32>
      %add3A_192 = arith.addf %add3A_183, %get3A_191 : vector<16xf32>
      %mul3A_193 = arith.constant 20 : i32
      %mul3A_194 = arith.muli %scan3A_106, %mul3A_193 : i32
      %add3A_195 = arith.constant 10 : i32
      %add3A_196 = arith.addi %mul3A_194, %add3A_195 : i32
      %get3A_197 = arith.index_cast %add3A_196 : i32 to index
      %get3A_198 = arith.constant 0 : index
      %get3A_199 = tpu.vector_load %arg6[%get3A_197, %get3A_198] {strides = array<i32>} : memref<640x64xf32, #tpu.memory_space<vmem>>, vector<1x16xf32>,
      %get3A_200 = vector.shape_cast %get3A_199 : vector<1x16xf32> to vector<16xf32>
      %add3A_201 = arith.addf %add3A_192, %get3A_200 : vector<16xf32>
      %mul3A_202 = arith.constant 20 : i32
      %mul3A_203 = arith.muli %scan3A_106, %mul3A_202 : i32
      %add3A_204 = arith.constant 11 : i32
      %add3A_205 = arith.addi %mul3A_203, %add3A_204 : i32
      %get3A_206 = arith.index_cast %add3A_205 : i32 to index
      %get3A_207 = arith.constant 0 : index
      %get3A_208 = tpu.vector_load %arg6[%get3A_206, %get3A_207] {strides = array<i32>} : memref<640x64xf32, #tpu.memory_space<vmem>>, vector<1x16xf32>,
      %get3A_209 = vector.shape_cast %get3A_208 : vector<1x16xf32> to vector<16xf32>
      %add3A_210 = arith.addf %add3A_201, %get3A_209 : vector<16xf32>
      %mul3A_211 = arith.constant 20 : i32
      %mul3A_212 = arith.muli %scan3A_106, %mul3A_211 : i32
      %add3A_213 = arith.constant 12 : i32
      %add3A_214 = arith.addi %mul3A_212, %add3A_213 : i32
      %get3A_215 = arith.index_cast %add3A_214 : i32 to index
      %get3A_216 = arith.constant 0 : index
      %get3A_217 = tpu.vector_load %arg6[%get3A_215, %get3A_216] {strides = array<i32>} : memref<640x64xf32, #tpu.memory_space<vmem>>, vector<1x16xf32>,
      %get3A_218 = vector.shape_cast %get3A_217 : vector<1x16xf32> to vector<16xf32>
      %add3A_219 = arith.addf %add3A_210, %get3A_218 : vector<16xf32>
      %mul3A_220 = arith.constant 20 : i32
      %mul3A_221 = arith.muli %scan3A_106, %mul3A_220 : i32
      %add3A_222 = arith.constant 13 : i32
      %add3A_223 = arith.addi %mul3A_221, %add3A_222 : i32
      %get3A_224 = arith.index_cast %add3A_223 : i32 to index
      %get3A_225 = arith.constant 0 : index
      %get3A_226 = tpu.vector_load %arg6[%get3A_224, %get3A_225] {strides = array<i32>} : memref<640x64xf32, #tpu.memory_space<vmem>>, vector<1x16xf32>,
      %get3A_227 = vector.shape_cast %get3A_226 : vector<1x16xf32> to vector<16xf32>
      %add3A_228 = arith.addf %add3A_219, %get3A_227 : vector<16xf32>
      %mul3A_229 = arith.constant 20 : i32
      %mul3A_230 = arith.muli %scan3A_106, %mul3A_229 : i32
      %add3A_231 = arith.constant 14 : i32
      %add3A_232 = arith.addi %mul3A_230, %add3A_231 : i32
      %get3A_233 = arith.index_cast %add3A_232 : i32 to index
      %get3A_234 = arith.constant 0 : index
      %get3A_235 = tpu.vector_load %arg6[%get3A_233, %get3A_234] {strides = array<i32>} : memref<640x64xf32, #tpu.memory_space<vmem>>, vector<1x16xf32>,
      %get3A_236 = vector.shape_cast %get3A_235 : vector<1x16xf32> to vector<16xf32>
      %add3A_237 = arith.addf %add3A_228, %get3A_236 : vector<16xf32>
      %mul3A_238 = arith.constant 20 : i32
      %mul3A_239 = arith.muli %scan3A_106, %mul3A_238 : i32
      %add3A_240 = arith.constant 15 : i32
      %add3A_241 = arith.addi %mul3A_239, %add3A_240 : i32
      %get3A_242 = arith.index_cast %add3A_241 : i32 to index
      %get3A_243 = arith.constant 0 : index
      %get3A_244 = tpu.vector_load %arg6[%get3A_242, %get3A_243] {strides = array<i32>} : memref<640x64xf32, #tpu.memory_space<vmem>>, vector<1x16xf32>,
      %get3A_245 = vector.shape_cast %get3A_244 : vector<1x16xf32> to vector<16xf32>
      %add3A_246 = arith.addf %add3A_237, %get3A_245 : vector<16xf32>
      %mul3A_247 = arith.constant 20 : i32
      %mul3A_248 = arith.muli %scan3A_106, %mul3A_247 : i32
      %add3A_249 = arith.constant 16 : i32
      %add3A_250 = arith.addi %mul3A_248, %add3A_249 : i32
      %get3A_251 = arith.index_cast %add3A_250 : i32 to index
      %get3A_252 = arith.constant 0 : index
      %get3A_253 = tpu.vector_load %arg6[%get3A_251, %get3A_252] {strides = array<i32>} : memref<640x64xf32, #tpu.memory_space<vmem>>, vector<1x16xf32>,
      %get3A_254 = vector.shape_cast %get3A_253 : vector<1x16xf32> to vector<16xf32>
      %add3A_255 = arith.addf %add3A_246, %get3A_254 : vector<16xf32>
      %mul3A_256 = arith.constant 20 : i32
      %mul3A_257 = arith.muli %scan3A_106, %mul3A_256 : i32
      %add3A_258 = arith.constant 17 : i32
      %add3A_259 = arith.addi %mul3A_257, %add3A_258 : i32
      %get3A_260 = arith.index_cast %add3A_259 : i32 to index
      %get3A_261 = arith.constant 0 : index
      %get3A_262 = tpu.vector_load %arg6[%get3A_260, %get3A_261] {strides = array<i32>} : memref<640x64xf32, #tpu.memory_space<vmem>>, vector<1x16xf32>,
      %get3A_263 = vector.shape_cast %get3A_262 : vector<1x16xf32> to vector<16xf32>
      %add3A_264 = arith.addf %add3A_255, %get3A_263 : vector<16xf32>
      %mul3A_265 = arith.constant 20 : i32
      %mul3A_266 = arith.muli %scan3A_106, %mul3A_265 : i32
      %add3A_267 = arith.constant 18 : i32
      %add3A_268 = arith.addi %mul3A_266, %add3A_267 : i32
      %get3A_269 = arith.index_cast %add3A_268 : i32 to index
      %get3A_270 = arith.constant 0 : index
      %get3A_271 = tpu.vector_load %arg6[%get3A_269, %get3A_270] {strides = array<i32>} : memref<640x64xf32, #tpu.memory_space<vmem>>, vector<1x16xf32>,
      %get3A_272 = vector.shape_cast %get3A_271 : vector<1x16xf32> to vector<16xf32>
      %add3A_273 = arith.addf %add3A_264, %get3A_272 : vector<16xf32>
      %mul3A_274 = arith.constant 20 : i32
      %mul3A_275 = arith.muli %scan3A_106, %mul3A_274 : i32
      %add3A_276 = arith.constant 19 : i32
      %add3A_277 = arith.addi %mul3A_275, %add3A_276 : i32
      %get3A_278 = arith.index_cast %add3A_277 : i32 to index
      %get3A_279 = arith.constant 0 : index
      %get3A_280 = tpu.vector_load %arg6[%get3A_278, %get3A_279] {strides = array<i32>} : memref<640x64xf32, #tpu.memory_space<vmem>>, vector<1x16xf32>,
      %get3A_281 = vector.shape_cast %get3A_280 : vector<1x16xf32> to vector<16xf32>
      %add3A_282 = arith.addf %add3A_273, %get3A_281 : vector<16xf32>
      %swap3A = arith.index_cast %scan3A_106 : i32 to index
      %swap3A_283 = arith.constant 0 : index
      %swap3A_284 = tpu.vector_load %arg7[%swap3A, %swap3A_283] {strides = array<i32>} : memref<32x64xf32, #tpu.memory_space<vmem>>, vector<1x16xf32>,
      %swap3A_285 = vector.shape_cast %swap3A_284 : vector<1x16xf32> to vector<16xf32>
      %swap3A_286 = vector.shape_cast %add3A_282 : vector<16xf32> to vector<1x16xf32>
      tpu.vector_store %arg7[%swap3A, %swap3A_283], %swap3A_286 {strides = array<i32>} : memref<32x64xf32, #tpu.memory_space<vmem>>, vector<1x16xf32>,
      %mul3A_287 = arith.constant 20 : i32
      %mul3A_288 = arith.muli %scan3A_106, %mul3A_287 : i32
      %get3A_289 = arith.index_cast %mul3A_288 : i32 to index
      %get3A_290 = arith.constant 16 : index
      %get3A_291 = tpu.vector_load %arg6[%get3A_289, %get3A_290] {strides = array<i32>} : memref<640x64xf32, #tpu.memory_space<vmem>>, vector<1x16xf32>,
      %get3A_292 = vector.shape_cast %get3A_291 : vector<1x16xf32> to vector<16xf32>
      %mul3A_293 = arith.constant 20 : i32
      %mul3A_294 = arith.muli %scan3A_106, %mul3A_293 : i32
      %add3A_295 = arith.constant 1 : i32
      %add3A_296 = arith.addi %mul3A_294, %add3A_295 : i32
      %get3A_297 = arith.index_cast %add3A_296 : i32 to index
      %get3A_298 = arith.constant 16 : index
      %get3A_299 = tpu.vector_load %arg6[%get3A_297, %get3A_298] {strides = array<i32>} : memref<640x64xf32, #tpu.memory_space<vmem>>, vector<1x16xf32>,
      %get3A_300 = vector.shape_cast %get3A_299 : vector<1x16xf32> to vector<16xf32>
      %add3A_301 = arith.addf %get3A_292, %get3A_300 : vector<16xf32>
      %mul3A_302 = arith.constant 20 : i32
      %mul3A_303 = arith.muli %scan3A_106, %mul3A_302 : i32
      %add3A_304 = arith.constant 2 : i32
      %add3A_305 = arith.addi %mul3A_303, %add3A_304 : i32
      %get3A_306 = arith.index_cast %add3A_305 : i32 to index
      %get3A_307 = arith.constant 16 : index
      %get3A_308 = tpu.vector_load %arg6[%get3A_306, %get3A_307] {strides = array<i32>} : memref<640x64xf32, #tpu.memory_space<vmem>>, vector<1x16xf32>,
      %get3A_309 = vector.shape_cast %get3A_308 : vector<1x16xf32> to vector<16xf32>
      %add3A_310 = arith.addf %add3A_301, %get3A_309 : vector<16xf32>
      %mul3A_311 = arith.constant 20 : i32
      %mul3A_312 = arith.muli %scan3A_106, %mul3A_311 : i32
      %add3A_313 = arith.constant 3 : i32
      %add3A_314 = arith.addi %mul3A_312, %add3A_313 : i32
      %get3A_315 = arith.index_cast %add3A_314 : i32 to index
      %get3A_316 = arith.constant 16 : index
      %get3A_317 = tpu.vector_load %arg6[%get3A_315, %get3A_316] {strides = array<i32>} : memref<640x64xf32, #tpu.memory_space<vmem>>, vector<1x16xf32>,
      %get3A_318 = vector.shape_cast %get3A_317 : vector<1x16xf32> to vector<16xf32>
      %add3A_319 = arith.addf %add3A_310, %get3A_318 : vector<16xf32>
      %mul3A_320 = arith.constant 20 : i32
      %mul3A_321 = arith.muli %scan3A_106, %mul3A_320 : i32
      %add3A_322 = arith.constant 4 : i32
      %add3A_323 = arith.addi %mul3A_321, %add3A_322 : i32
      %get3A_324 = arith.index_cast %add3A_323 : i32 to index
      %get3A_325 = arith.constant 16 : index
      %get3A_326 = tpu.vector_load %arg6[%get3A_324, %get3A_325] {strides = array<i32>} : memref<640x64xf32, #tpu.memory_space<vmem>>, vector<1x16xf32>,
      %get3A_327 = vector.shape_cast %get3A_326 : vector<1x16xf32> to vector<16xf32>
      %add3A_328 = arith.addf %add3A_319, %get3A_327 : vector<16xf32>
      %mul3A_329 = arith.constant 20 : i32
      %mul3A_330 = arith.muli %scan3A_106, %mul3A_329 : i32
      %add3A_331 = arith.constant 5 : i32
      %add3A_332 = arith.addi %mul3A_330, %add3A_331 : i32
      %get3A_333 = arith.index_cast %add3A_332 : i32 to index
      %get3A_334 = arith.constant 16 : index
      %get3A_335 = tpu.vector_load %arg6[%get3A_333, %get3A_334] {strides = array<i32>} : memref<640x64xf32, #tpu.memory_space<vmem>>, vector<1x16xf32>,
      %get3A_336 = vector.shape_cast %get3A_335 : vector<1x16xf32> to vector<16xf32>
      %add3A_337 = arith.addf %add3A_328, %get3A_336 : vector<16xf32>
      %mul3A_338 = arith.constant 20 : i32
      %mul3A_339 = arith.muli %scan3A_106, %mul3A_338 : i32
      %add3A_340 = arith.constant 6 : i32
      %add3A_341 = arith.addi %mul3A_339, %add3A_340 : i32
      %get3A_342 = arith.index_cast %add3A_341 : i32 to index
      %get3A_343 = arith.constant 16 : index
      %get3A_344 = tpu.vector_load %arg6[%get3A_342, %get3A_343] {strides = array<i32>} : memref<640x64xf32, #tpu.memory_space<vmem>>, vector<1x16xf32>,
      %get3A_345 = vector.shape_cast %get3A_344 : vector<1x16xf32> to vector<16xf32>
      %add3A_346 = arith.addf %add3A_337, %get3A_345 : vector<16xf32>
      %mul3A_347 = arith.constant 20 : i32
      %mul3A_348 = arith.muli %scan3A_106, %mul3A_347 : i32
      %add3A_349 = arith.constant 7 : i32
      %add3A_350 = arith.addi %mul3A_348, %add3A_349 : i32
      %get3A_351 = arith.index_cast %add3A_350 : i32 to index
      %get3A_352 = arith.constant 16 : index
      %get3A_353 = tpu.vector_load %arg6[%get3A_351, %get3A_352] {strides = array<i32>} : memref<640x64xf32, #tpu.memory_space<vmem>>, vector<1x16xf32>,
      %get3A_354 = vector.shape_cast %get3A_353 : vector<1x16xf32> to vector<16xf32>
      %add3A_355 = arith.addf %add3A_346, %get3A_354 : vector<16xf32>
      %mul3A_356 = arith.constant 20 : i32
      %mul3A_357 = arith.muli %scan3A_106, %mul3A_356 : i32
      %add3A_358 = arith.constant 8 : i32
      %add3A_359 = arith.addi %mul3A_357, %add3A_358 : i32
      %get3A_360 = arith.index_cast %add3A_359 : i32 to index
      %get3A_361 = arith.constant 16 : index
      %get3A_362 = tpu.vector_load %arg6[%get3A_360, %get3A_361] {strides = array<i32>} : memref<640x64xf32, #tpu.memory_space<vmem>>, vector<1x16xf32>,
      %get3A_363 = vector.shape_cast %get3A_362 : vector<1x16xf32> to vector<16xf32>
      %add3A_364 = arith.addf %add3A_355, %get3A_363 : vector<16xf32>
      %mul3A_365 = arith.constant 20 : i32
      %mul3A_366 = arith.muli %scan3A_106, %mul3A_365 : i32
      %add3A_367 = arith.constant 9 : i32
      %add3A_368 = arith.addi %mul3A_366, %add3A_367 : i32
      %get3A_369 = arith.index_cast %add3A_368 : i32 to index
      %get3A_370 = arith.constant 16 : index
      %get3A_371 = tpu.vector_load %arg6[%get3A_369, %get3A_370] {strides = array<i32>} : memref<640x64xf32, #tpu.memory_space<vmem>>, vector<1x16xf32>,
      %get3A_372 = vector.shape_cast %get3A_371 : vector<1x16xf32> to vector<16xf32>
      %add3A_373 = arith.addf %add3A_364, %get3A_372 : vector<16xf32>
      %mul3A_374 = arith.constant 20 : i32
      %mul3A_375 = arith.muli %scan3A_106, %mul3A_374 : i32
      %add3A_376 = arith.constant 10 : i32
      %add3A_377 = arith.addi %mul3A_375, %add3A_376 : i32
      %get3A_378 = arith.index_cast %add3A_377 : i32 to index
      %get3A_379 = arith.constant 16 : index
      %get3A_380 = tpu.vector_load %arg6[%get3A_378, %get3A_379] {strides = array<i32>} : memref<640x64xf32, #tpu.memory_space<vmem>>, vector<1x16xf32>,
      %get3A_381 = vector.shape_cast %get3A_380 : vector<1x16xf32> to vector<16xf32>
      %add3A_382 = arith.addf %add3A_373, %get3A_381 : vector<16xf32>
      %mul3A_383 = arith.constant 20 : i32
      %mul3A_384 = arith.muli %scan3A_106, %mul3A_383 : i32
      %add3A_385 = arith.constant 11 : i32
      %add3A_386 = arith.addi %mul3A_384, %add3A_385 : i32
      %get3A_387 = arith.index_cast %add3A_386 : i32 to index
      %get3A_388 = arith.constant 16 : index
      %get3A_389 = tpu.vector_load %arg6[%get3A_387, %get3A_388] {strides = array<i32>} : memref<640x64xf32, #tpu.memory_space<vmem>>, vector<1x16xf32>,
      %get3A_390 = vector.shape_cast %get3A_389 : vector<1x16xf32> to vector<16xf32>
      %add3A_391 = arith.addf %add3A_382, %get3A_390 : vector<16xf32>
      %mul3A_392 = arith.constant 20 : i32
      %mul3A_393 = arith.muli %scan3A_106, %mul3A_392 : i32
      %add3A_394 = arith.constant 12 : i32
      %add3A_395 = arith.addi %mul3A_393, %add3A_394 : i32
      %get3A_396 = arith.index_cast %add3A_395 : i32 to index
      %get3A_397 = arith.constant 16 : index
      %get3A_398 = tpu.vector_load %arg6[%get3A_396, %get3A_397] {strides = array<i32>} : memref<640x64xf32, #tpu.memory_space<vmem>>, vector<1x16xf32>,
      %get3A_399 = vector.shape_cast %get3A_398 : vector<1x16xf32> to vector<16xf32>
      %add3A_400 = arith.addf %add3A_391, %get3A_399 : vector<16xf32>
      %mul3A_401 = arith.constant 20 : i32
      %mul3A_402 = arith.muli %scan3A_106, %mul3A_401 : i32
      %add3A_403 = arith.constant 13 : i32
      %add3A_404 = arith.addi %mul3A_402, %add3A_403 : i32
      %get3A_405 = arith.index_cast %add3A_404 : i32 to index
      %get3A_406 = arith.constant 16 : index
      %get3A_407 = tpu.vector_load %arg6[%get3A_405, %get3A_406] {strides = array<i32>} : memref<640x64xf32, #tpu.memory_space<vmem>>, vector<1x16xf32>,
      %get3A_408 = vector.shape_cast %get3A_407 : vector<1x16xf32> to vector<16xf32>
      %add3A_409 = arith.addf %add3A_400, %get3A_408 : vector<16xf32>
      %mul3A_410 = arith.constant 20 : i32
      %mul3A_411 = arith.muli %scan3A_106, %mul3A_410 : i32
      %add3A_412 = arith.constant 14 : i32
      %add3A_413 = arith.addi %mul3A_411, %add3A_412 : i32
      %get3A_414 = arith.index_cast %add3A_413 : i32 to index
      %get3A_415 = arith.constant 16 : index
      %get3A_416 = tpu.vector_load %arg6[%get3A_414, %get3A_415] {strides = array<i32>} : memref<640x64xf32, #tpu.memory_space<vmem>>, vector<1x16xf32>,
      %get3A_417 = vector.shape_cast %get3A_416 : vector<1x16xf32> to vector<16xf32>
      %add3A_418 = arith.addf %add3A_409, %get3A_417 : vector<16xf32>
      %mul3A_419 = arith.constant 20 : i32
      %mul3A_420 = arith.muli %scan3A_106, %mul3A_419 : i32
      %add3A_421 = arith.constant 15 : i32
      %add3A_422 = arith.addi %mul3A_420, %add3A_421 : i32
      %get3A_423 = arith.index_cast %add3A_422 : i32 to index
      %get3A_424 = arith.constant 16 : index
      %get3A_425 = tpu.vector_load %arg6[%get3A_423, %get3A_424] {strides = array<i32>} : memref<640x64xf32, #tpu.memory_space<vmem>>, vector<1x16xf32>,
      %get3A_426 = vector.shape_cast %get3A_425 : vector<1x16xf32> to vector<16xf32>
      %add3A_427 = arith.addf %add3A_418, %get3A_426 : vector<16xf32>
      %mul3A_428 = arith.constant 20 : i32
      %mul3A_429 = arith.muli %scan3A_106, %mul3A_428 : i32
      %add3A_430 = arith.constant 16 : i32
      %add3A_431 = arith.addi %mul3A_429, %add3A_430 : i32
      %get3A_432 = arith.index_cast %add3A_431 : i32 to index
      %get3A_433 = arith.constant 16 : index
      %get3A_434 = tpu.vector_load %arg6[%get3A_432, %get3A_433] {strides = array<i32>} : memref<640x64xf32, #tpu.memory_space<vmem>>, vector<1x16xf32>,
      %get3A_435 = vector.shape_cast %get3A_434 : vector<1x16xf32> to vector<16xf32>
      %add3A_436 = arith.addf %add3A_427, %get3A_435 : vector<16xf32>
      %mul3A_437 = arith.constant 20 : i32
      %mul3A_438 = arith.muli %scan3A_106, %mul3A_437 : i32
      %add3A_439 = arith.constant 17 : i32
      %add3A_440 = arith.addi %mul3A_438, %add3A_439 : i32
      %get3A_441 = arith.index_cast %add3A_440 : i32 to index
      %get3A_442 = arith.constant 16 : index
      %get3A_443 = tpu.vector_load %arg6[%get3A_441, %get3A_442] {strides = array<i32>} : memref<640x64xf32, #tpu.memory_space<vmem>>, vector<1x16xf32>,
      %get3A_444 = vector.shape_cast %get3A_443 : vector<1x16xf32> to vector<16xf32>
      %add3A_445 = arith.addf %add3A_436, %get3A_444 : vector<16xf32>
      %mul3A_446 = arith.constant 20 : i32
      %mul3A_447 = arith.muli %scan3A_106, %mul3A_446 : i32
      %add3A_448 = arith.constant 18 : i32
      %add3A_449 = arith.addi %mul3A_447, %add3A_448 : i32
      %get3A_450 = arith.index_cast %add3A_449 : i32 to index
      %get3A_451 = arith.constant 16 : index
      %get3A_452 = tpu.vector_load %arg6[%get3A_450, %get3A_451] {strides = array<i32>} : memref<640x64xf32, #tpu.memory_space<vmem>>, vector<1x16xf32>,
      %get3A_453 = vector.shape_cast %get3A_452 : vector<1x16xf32> to vector<16xf32>
      %add3A_454 = arith.addf %add3A_445, %get3A_453 : vector<16xf32>
      %mul3A_455 = arith.constant 20 : i32
      %mul3A_456 = arith.muli %scan3A_106, %mul3A_455 : i32
      %add3A_457 = arith.constant 19 : i32
      %add3A_458 = arith.addi %mul3A_456, %add3A_457 : i32
      %get3A_459 = arith.index_cast %add3A_458 : i32 to index
      %get3A_460 = arith.constant 16 : index
      %get3A_461 = tpu.vector_load %arg6[%get3A_459, %get3A_460] {strides = array<i32>} : memref<640x64xf32, #tpu.memory_space<vmem>>, vector<1x16xf32>,
      %get3A_462 = vector.shape_cast %get3A_461 : vector<1x16xf32> to vector<16xf32>
      %add3A_463 = arith.addf %add3A_454, %get3A_462 : vector<16xf32>
      %swap3A_464 = arith.index_cast %scan3A_106 : i32 to index
      %swap3A_465 = arith.constant 16 : index
      %swap3A_466 = tpu.vector_load %arg7[%swap3A_464, %swap3A_465] {strides = array<i32>} : memref<32x64xf32, #tpu.memory_space<vmem>>, vector<1x16xf32>,
      %swap3A_467 = vector.shape_cast %swap3A_466 : vector<1x16xf32> to vector<16xf32>
      %swap3A_468 = vector.shape_cast %add3A_463 : vector<16xf32> to vector<1x16xf32>
      tpu.vector_store %arg7[%swap3A_464, %swap3A_465], %swap3A_468 {strides = array<i32>} : memref<32x64xf32, #tpu.memory_space<vmem>>, vector<1x16xf32>,
      %mul3A_469 = arith.constant 20 : i32
      %mul3A_470 = arith.muli %scan3A_106, %mul3A_469 : i32
      %get3A_471 = arith.index_cast %mul3A_470 : i32 to index
      %get3A_472 = arith.constant 32 : index
      %get3A_473 = tpu.vector_load %arg6[%get3A_471, %get3A_472] {strides = array<i32>} : memref<640x64xf32, #tpu.memory_space<vmem>>, vector<1x16xf32>,
      %get3A_474 = vector.shape_cast %get3A_473 : vector<1x16xf32> to vector<16xf32>
      %mul3A_475 = arith.constant 20 : i32
      %mul3A_476 = arith.muli %scan3A_106, %mul3A_475 : i32
      %add3A_477 = arith.constant 1 : i32
      %add3A_478 = arith.addi %mul3A_476, %add3A_477 : i32
      %get3A_479 = arith.index_cast %add3A_478 : i32 to index
      %get3A_480 = arith.constant 32 : index
      %get3A_481 = tpu.vector_load %arg6[%get3A_479, %get3A_480] {strides = array<i32>} : memref<640x64xf32, #tpu.memory_space<vmem>>, vector<1x16xf32>,
      %get3A_482 = vector.shape_cast %get3A_481 : vector<1x16xf32> to vector<16xf32>
      %add3A_483 = arith.addf %get3A_474, %get3A_482 : vector<16xf32>
      %mul3A_484 = arith.constant 20 : i32
      %mul3A_485 = arith.muli %scan3A_106, %mul3A_484 : i32
      %add3A_486 = arith.constant 2 : i32
      %add3A_487 = arith.addi %mul3A_485, %add3A_486 : i32
      %get3A_488 = arith.index_cast %add3A_487 : i32 to index
      %get3A_489 = arith.constant 32 : index
      %get3A_490 = tpu.vector_load %arg6[%get3A_488, %get3A_489] {strides = array<i32>} : memref<640x64xf32, #tpu.memory_space<vmem>>, vector<1x16xf32>,
      %get3A_491 = vector.shape_cast %get3A_490 : vector<1x16xf32> to vector<16xf32>
      %add3A_492 = arith.addf %add3A_483, %get3A_491 : vector<16xf32>
      %mul3A_493 = arith.constant 20 : i32
      %mul3A_494 = arith.muli %scan3A_106, %mul3A_493 : i32
      %add3A_495 = arith.constant 3 : i32
      %add3A_496 = arith.addi %mul3A_494, %add3A_495 : i32
      %get3A_497 = arith.index_cast %add3A_496 : i32 to index
      %get3A_498 = arith.constant 32 : index
      %get3A_499 = tpu.vector_load %arg6[%get3A_497, %get3A_498] {strides = array<i32>} : memref<640x64xf32, #tpu.memory_space<vmem>>, vector<1x16xf32>,
      %get3A_500 = vector.shape_cast %get3A_499 : vector<1x16xf32> to vector<16xf32>
      %add3A_501 = arith.addf %add3A_492, %get3A_500 : vector<16xf32>
      %mul3A_502 = arith.constant 20 : i32
      %mul3A_503 = arith.muli %scan3A_106, %mul3A_502 : i32
      %add3A_504 = arith.constant 4 : i32
      %add3A_505 = arith.addi %mul3A_503, %add3A_504 : i32
      %get3A_506 = arith.index_cast %add3A_505 : i32 to index
      %get3A_507 = arith.constant 32 : index
      %get3A_508 = tpu.vector_load %arg6[%get3A_506, %get3A_507] {strides = array<i32>} : memref<640x64xf32, #tpu.memory_space<vmem>>, vector<1x16xf32>,
      %get3A_509 = vector.shape_cast %get3A_508 : vector<1x16xf32> to vector<16xf32>
      %add3A_510 = arith.addf %add3A_501, %get3A_509 : vector<16xf32>
      %mul3A_511 = arith.constant 20 : i32
      %mul3A_512 = arith.muli %scan3A_106, %mul3A_511 : i32
      %add3A_513 = arith.constant 5 : i32
      %add3A_514 = arith.addi %mul3A_512, %add3A_513 : i32
      %get3A_515 = arith.index_cast %add3A_514 : i32 to index
      %get3A_516 = arith.constant 32 : index
      %get3A_517 = tpu.vector_load %arg6[%get3A_515, %get3A_516] {strides = array<i32>} : memref<640x64xf32, #tpu.memory_space<vmem>>, vector<1x16xf32>,
      %get3A_518 = vector.shape_cast %get3A_517 : vector<1x16xf32> to vector<16xf32>
      %add3A_519 = arith.addf %add3A_510, %get3A_518 : vector<16xf32>
      %mul3A_520 = arith.constant 20 : i32
      %mul3A_521 = arith.muli %scan3A_106, %mul3A_520 : i32
      %add3A_522 = arith.constant 6 : i32
      %add3A_523 = arith.addi %mul3A_521, %add3A_522 : i32
      %get3A_524 = arith.index_cast %add3A_523 : i32 to index
      %get3A_525 = arith.constant 32 : index
      %get3A_526 = tpu.vector_load %arg6[%get3A_524, %get3A_525] {strides = array<i32>} : memref<640x64xf32, #tpu.memory_space<vmem>>, vector<1x16xf32>,
      %get3A_527 = vector.shape_cast %get3A_526 : vector<1x16xf32> to vector<16xf32>
      %add3A_528 = arith.addf %add3A_519, %get3A_527 : vector<16xf32>
      %mul3A_529 = arith.constant 20 : i32
      %mul3A_530 = arith.muli %scan3A_106, %mul3A_529 : i32
      %add3A_531 = arith.constant 7 : i32
      %add3A_532 = arith.addi %mul3A_530, %add3A_531 : i32
      %get3A_533 = arith.index_cast %add3A_532 : i32 to index
      %get3A_534 = arith.constant 32 : index
      %get3A_535 = tpu.vector_load %arg6[%get3A_533, %get3A_534] {strides = array<i32>} : memref<640x64xf32, #tpu.memory_space<vmem>>, vector<1x16xf32>,
      %get3A_536 = vector.shape_cast %get3A_535 : vector<1x16xf32> to vector<16xf32>
      %add3A_537 = arith.addf %add3A_528, %get3A_536 : vector<16xf32>
      %mul3A_538 = arith.constant 20 : i32
      %mul3A_539 = arith.muli %scan3A_106, %mul3A_538 : i32
      %add3A_540 = arith.constant 8 : i32
      %add3A_541 = arith.addi %mul3A_539, %add3A_540 : i32
      %get3A_542 = arith.index_cast %add3A_541 : i32 to index
      %get3A_543 = arith.constant 32 : index
      %get3A_544 = tpu.vector_load %arg6[%get3A_542, %get3A_543] {strides = array<i32>} : memref<640x64xf32, #tpu.memory_space<vmem>>, vector<1x16xf32>,
      %get3A_545 = vector.shape_cast %get3A_544 : vector<1x16xf32> to vector<16xf32>
      %add3A_546 = arith.addf %add3A_537, %get3A_545 : vector<16xf32>
      %mul3A_547 = arith.constant 20 : i32
      %mul3A_548 = arith.muli %scan3A_106, %mul3A_547 : i32
      %add3A_549 = arith.constant 9 : i32
      %add3A_550 = arith.addi %mul3A_548, %add3A_549 : i32
      %get3A_551 = arith.index_cast %add3A_550 : i32 to index
      %get3A_552 = arith.constant 32 : index
      %get3A_553 = tpu.vector_load %arg6[%get3A_551, %get3A_552] {strides = array<i32>} : memref<640x64xf32, #tpu.memory_space<vmem>>, vector<1x16xf32>,
      %get3A_554 = vector.shape_cast %get3A_553 : vector<1x16xf32> to vector<16xf32>
      %add3A_555 = arith.addf %add3A_546, %get3A_554 : vector<16xf32>
      %mul3A_556 = arith.constant 20 : i32
      %mul3A_557 = arith.muli %scan3A_106, %mul3A_556 : i32
      %add3A_558 = arith.constant 10 : i32
      %add3A_559 = arith.addi %mul3A_557, %add3A_558 : i32
      %get3A_560 = arith.index_cast %add3A_559 : i32 to index
      %get3A_561 = arith.constant 32 : index
      %get3A_562 = tpu.vector_load %arg6[%get3A_560, %get3A_561] {strides = array<i32>} : memref<640x64xf32, #tpu.memory_space<vmem>>, vector<1x16xf32>,
      %get3A_563 = vector.shape_cast %get3A_562 : vector<1x16xf32> to vector<16xf32>
      %add3A_564 = arith.addf %add3A_555, %get3A_563 : vector<16xf32>
      %mul3A_565 = arith.constant 20 : i32
      %mul3A_566 = arith.muli %scan3A_106, %mul3A_565 : i32
      %add3A_567 = arith.constant 11 : i32
      %add3A_568 = arith.addi %mul3A_566, %add3A_567 : i32
      %get3A_569 = arith.index_cast %add3A_568 : i32 to index
      %get3A_570 = arith.constant 32 : index
      %get3A_571 = tpu.vector_load %arg6[%get3A_569, %get3A_570] {strides = array<i32>} : memref<640x64xf32, #tpu.memory_space<vmem>>, vector<1x16xf32>,
      %get3A_572 = vector.shape_cast %get3A_571 : vector<1x16xf32> to vector<16xf32>
      %add3A_573 = arith.addf %add3A_564, %get3A_572 : vector<16xf32>
      %mul3A_574 = arith.constant 20 : i32
      %mul3A_575 = arith.muli %scan3A_106, %mul3A_574 : i32
      %add3A_576 = arith.constant 12 : i32
      %add3A_577 = arith.addi %mul3A_575, %add3A_576 : i32
      %get3A_578 = arith.index_cast %add3A_577 : i32 to index
      %get3A_579 = arith.constant 32 : index
      %get3A_580 = tpu.vector_load %arg6[%get3A_578, %get3A_579] {strides = array<i32>} : memref<640x64xf32, #tpu.memory_space<vmem>>, vector<1x16xf32>,
      %get3A_581 = vector.shape_cast %get3A_580 : vector<1x16xf32> to vector<16xf32>
      %add3A_582 = arith.addf %add3A_573, %get3A_581 : vector<16xf32>
      %mul3A_583 = arith.constant 20 : i32
      %mul3A_584 = arith.muli %scan3A_106, %mul3A_583 : i32
      %add3A_585 = arith.constant 13 : i32
      %add3A_586 = arith.addi %mul3A_584, %add3A_585 : i32
      %get3A_587 = arith.index_cast %add3A_586 : i32 to index
      %get3A_588 = arith.constant 32 : index
      %get3A_589 = tpu.vector_load %arg6[%get3A_587, %get3A_588] {strides = array<i32>} : memref<640x64xf32, #tpu.memory_space<vmem>>, vector<1x16xf32>,
      %get3A_590 = vector.shape_cast %get3A_589 : vector<1x16xf32> to vector<16xf32>
      %add3A_591 = arith.addf %add3A_582, %get3A_590 : vector<16xf32>
      %mul3A_592 = arith.constant 20 : i32
      %mul3A_593 = arith.muli %scan3A_106, %mul3A_592 : i32
      %add3A_594 = arith.constant 14 : i32
      %add3A_595 = arith.addi %mul3A_593, %add3A_594 : i32
      %get3A_596 = arith.index_cast %add3A_595 : i32 to index
      %get3A_597 = arith.constant 32 : index
      %get3A_598 = tpu.vector_load %arg6[%get3A_596, %get3A_597] {strides = array<i32>} : memref<640x64xf32, #tpu.memory_space<vmem>>, vector<1x16xf32>,
      %get3A_599 = vector.shape_cast %get3A_598 : vector<1x16xf32> to vector<16xf32>
      %add3A_600 = arith.addf %add3A_591, %get3A_599 : vector<16xf32>
      %mul3A_601 = arith.constant 20 : i32
      %mul3A_602 = arith.muli %scan3A_106, %mul3A_601 : i32
      %add3A_603 = arith.constant 15 : i32
      %add3A_604 = arith.addi %mul3A_602, %add3A_603 : i32
      %get3A_605 = arith.index_cast %add3A_604 : i32 to index
      %get3A_606 = arith.constant 32 : index
      %get3A_607 = tpu.vector_load %arg6[%get3A_605, %get3A_606] {strides = array<i32>} : memref<640x64xf32, #tpu.memory_space<vmem>>, vector<1x16xf32>,
      %get3A_608 = vector.shape_cast %get3A_607 : vector<1x16xf32> to vector<16xf32>
      %add3A_609 = arith.addf %add3A_600, %get3A_608 : vector<16xf32>
      %mul3A_610 = arith.constant 20 : i32
      %mul3A_611 = arith.muli %scan3A_106, %mul3A_610 : i32
      %add3A_612 = arith.constant 16 : i32
      %add3A_613 = arith.addi %mul3A_611, %add3A_612 : i32
      %get3A_614 = arith.index_cast %add3A_613 : i32 to index
      %get3A_615 = arith.constant 32 : index
      %get3A_616 = tpu.vector_load %arg6[%get3A_614, %get3A_615] {strides = array<i32>} : memref<640x64xf32, #tpu.memory_space<vmem>>, vector<1x16xf32>,
      %get3A_617 = vector.shape_cast %get3A_616 : vector<1x16xf32> to vector<16xf32>
      %add3A_618 = arith.addf %add3A_609, %get3A_617 : vector<16xf32>
      %mul3A_619 = arith.constant 20 : i32
      %mul3A_620 = arith.muli %scan3A_106, %mul3A_619 : i32
      %add3A_621 = arith.constant 17 : i32
      %add3A_622 = arith.addi %mul3A_620, %add3A_621 : i32
      %get3A_623 = arith.index_cast %add3A_622 : i32 to index
      %get3A_624 = arith.constant 32 : index
      %get3A_625 = tpu.vector_load %arg6[%get3A_623, %get3A_624] {strides = array<i32>} : memref<640x64xf32, #tpu.memory_space<vmem>>, vector<1x16xf32>,
      %get3A_626 = vector.shape_cast %get3A_625 : vector<1x16xf32> to vector<16xf32>
      %add3A_627 = arith.addf %add3A_618, %get3A_626 : vector<16xf32>
      %mul3A_628 = arith.constant 20 : i32
      %mul3A_629 = arith.muli %scan3A_106, %mul3A_628 : i32
      %add3A_630 = arith.constant 18 : i32
      %add3A_631 = arith.addi %mul3A_629, %add3A_630 : i32
      %get3A_632 = arith.index_cast %add3A_631 : i32 to index
      %get3A_633 = arith.constant 32 : index
      %get3A_634 = tpu.vector_load %arg6[%get3A_632, %get3A_633] {strides = array<i32>} : memref<640x64xf32, #tpu.memory_space<vmem>>, vector<1x16xf32>,
      %get3A_635 = vector.shape_cast %get3A_634 : vector<1x16xf32> to vector<16xf32>
      %add3A_636 = arith.addf %add3A_627, %get3A_635 : vector<16xf32>
      %mul3A_637 = arith.constant 20 : i32
      %mul3A_638 = arith.muli %scan3A_106, %mul3A_637 : i32
      %add3A_639 = arith.constant 19 : i32
      %add3A_640 = arith.addi %mul3A_638, %add3A_639 : i32
      %get3A_641 = arith.index_cast %add3A_640 : i32 to index
      %get3A_642 = arith.constant 32 : index
      %get3A_643 = tpu.vector_load %arg6[%get3A_641, %get3A_642] {strides = array<i32>} : memref<640x64xf32, #tpu.memory_space<vmem>>, vector<1x16xf32>,
      %get3A_644 = vector.shape_cast %get3A_643 : vector<1x16xf32> to vector<16xf32>
      %add3A_645 = arith.addf %add3A_636, %get3A_644 : vector<16xf32>
      %swap3A_646 = arith.index_cast %scan3A_106 : i32 to index
      %swap3A_647 = arith.constant 32 : index
      %swap3A_648 = tpu.vector_load %arg7[%swap3A_646, %swap3A_647] {strides = array<i32>} : memref<32x64xf32, #tpu.memory_space<vmem>>, vector<1x16xf32>,
      %swap3A_649 = vector.shape_cast %swap3A_648 : vector<1x16xf32> to vector<16xf32>
      %swap3A_650 = vector.shape_cast %add3A_645 : vector<16xf32> to vector<1x16xf32>
      tpu.vector_store %arg7[%swap3A_646, %swap3A_647], %swap3A_650 {strides = array<i32>} : memref<32x64xf32, #tpu.memory_space<vmem>>, vector<1x16xf32>,
      %mul3A_651 = arith.constant 20 : i32
      %mul3A_652 = arith.muli %scan3A_106, %mul3A_651 : i32
      %get3A_653 = arith.index_cast %mul3A_652 : i32 to index
      %get3A_654 = arith.constant 48 : index
      %get3A_655 = tpu.vector_load %arg6[%get3A_653, %get3A_654] {strides = array<i32>} : memref<640x64xf32, #tpu.memory_space<vmem>>, vector<1x16xf32>,
      %get3A_656 = vector.shape_cast %get3A_655 : vector<1x16xf32> to vector<16xf32>
      %mul3A_657 = arith.constant 20 : i32
      %mul3A_658 = arith.muli %scan3A_106, %mul3A_657 : i32
      %add3A_659 = arith.constant 1 : i32
      %add3A_660 = arith.addi %mul3A_658, %add3A_659 : i32
      %get3A_661 = arith.index_cast %add3A_660 : i32 to index
      %get3A_662 = arith.constant 48 : index
      %get3A_663 = tpu.vector_load %arg6[%get3A_661, %get3A_662] {strides = array<i32>} : memref<640x64xf32, #tpu.memory_space<vmem>>, vector<1x16xf32>,
      %get3A_664 = vector.shape_cast %get3A_663 : vector<1x16xf32> to vector<16xf32>
      %add3A_665 = arith.addf %get3A_656, %get3A_664 : vector<16xf32>
      %mul3A_666 = arith.constant 20 : i32
      %mul3A_667 = arith.muli %scan3A_106, %mul3A_666 : i32
      %add3A_668 = arith.constant 2 : i32
      %add3A_669 = arith.addi %mul3A_667, %add3A_668 : i32
      %get3A_670 = arith.index_cast %add3A_669 : i32 to index
      %get3A_671 = arith.constant 48 : index
      %get3A_672 = tpu.vector_load %arg6[%get3A_670, %get3A_671] {strides = array<i32>} : memref<640x64xf32, #tpu.memory_space<vmem>>, vector<1x16xf32>,
      %get3A_673 = vector.shape_cast %get3A_672 : vector<1x16xf32> to vector<16xf32>
      %add3A_674 = arith.addf %add3A_665, %get3A_673 : vector<16xf32>
      %mul3A_675 = arith.constant 20 : i32
      %mul3A_676 = arith.muli %scan3A_106, %mul3A_675 : i32
      %add3A_677 = arith.constant 3 : i32
      %add3A_678 = arith.addi %mul3A_676, %add3A_677 : i32
      %get3A_679 = arith.index_cast %add3A_678 : i32 to index
      %get3A_680 = arith.constant 48 : index
      %get3A_681 = tpu.vector_load %arg6[%get3A_679, %get3A_680] {strides = array<i32>} : memref<640x64xf32, #tpu.memory_space<vmem>>, vector<1x16xf32>,
      %get3A_682 = vector.shape_cast %get3A_681 : vector<1x16xf32> to vector<16xf32>
      %add3A_683 = arith.addf %add3A_674, %get3A_682 : vector<16xf32>
      %mul3A_684 = arith.constant 20 : i32
      %mul3A_685 = arith.muli %scan3A_106, %mul3A_684 : i32
      %add3A_686 = arith.constant 4 : i32
      %add3A_687 = arith.addi %mul3A_685, %add3A_686 : i32
      %get3A_688 = arith.index_cast %add3A_687 : i32 to index
      %get3A_689 = arith.constant 48 : index
      %get3A_690 = tpu.vector_load %arg6[%get3A_688, %get3A_689] {strides = array<i32>} : memref<640x64xf32, #tpu.memory_space<vmem>>, vector<1x16xf32>,
      %get3A_691 = vector.shape_cast %get3A_690 : vector<1x16xf32> to vector<16xf32>
      %add3A_692 = arith.addf %add3A_683, %get3A_691 : vector<16xf32>
      %mul3A_693 = arith.constant 20 : i32
      %mul3A_694 = arith.muli %scan3A_106, %mul3A_693 : i32
      %add3A_695 = arith.constant 5 : i32
      %add3A_696 = arith.addi %mul3A_694, %add3A_695 : i32
      %get3A_697 = arith.index_cast %add3A_696 : i32 to index
      %get3A_698 = arith.constant 48 : index
      %get3A_699 = tpu.vector_load %arg6[%get3A_697, %get3A_698] {strides = array<i32>} : memref<640x64xf32, #tpu.memory_space<vmem>>, vector<1x16xf32>,
      %get3A_700 = vector.shape_cast %get3A_699 : vector<1x16xf32> to vector<16xf32>
      %add3A_701 = arith.addf %add3A_692, %get3A_700 : vector<16xf32>
      %mul3A_702 = arith.constant 20 : i32
      %mul3A_703 = arith.muli %scan3A_106, %mul3A_702 : i32
      %add3A_704 = arith.constant 6 : i32
      %add3A_705 = arith.addi %mul3A_703, %add3A_704 : i32
      %get3A_706 = arith.index_cast %add3A_705 : i32 to index
      %get3A_707 = arith.constant 48 : index
      %get3A_708 = tpu.vector_load %arg6[%get3A_706, %get3A_707] {strides = array<i32>} : memref<640x64xf32, #tpu.memory_space<vmem>>, vector<1x16xf32>,
      %get3A_709 = vector.shape_cast %get3A_708 : vector<1x16xf32> to vector<16xf32>
      %add3A_710 = arith.addf %add3A_701, %get3A_709 : vector<16xf32>
      %mul3A_711 = arith.constant 20 : i32
      %mul3A_712 = arith.muli %scan3A_106, %mul3A_711 : i32
      %add3A_713 = arith.constant 7 : i32
      %add3A_714 = arith.addi %mul3A_712, %add3A_713 : i32
      %get3A_715 = arith.index_cast %add3A_714 : i32 to index
      %get3A_716 = arith.constant 48 : index
      %get3A_717 = tpu.vector_load %arg6[%get3A_715, %get3A_716] {strides = array<i32>} : memref<640x64xf32, #tpu.memory_space<vmem>>, vector<1x16xf32>,
      %get3A_718 = vector.shape_cast %get3A_717 : vector<1x16xf32> to vector<16xf32>
      %add3A_719 = arith.addf %add3A_710, %get3A_718 : vector<16xf32>
      %mul3A_720 = arith.constant 20 : i32
      %mul3A_721 = arith.muli %scan3A_106, %mul3A_720 : i32
      %add3A_722 = arith.constant 8 : i32
      %add3A_723 = arith.addi %mul3A_721, %add3A_722 : i32
      %get3A_724 = arith.index_cast %add3A_723 : i32 to index
      %get3A_725 = arith.constant 48 : index
      %get3A_726 = tpu.vector_load %arg6[%get3A_724, %get3A_725] {strides = array<i32>} : memref<640x64xf32, #tpu.memory_space<vmem>>, vector<1x16xf32>,
      %get3A_727 = vector.shape_cast %get3A_726 : vector<1x16xf32> to vector<16xf32>
      %add3A_728 = arith.addf %add3A_719, %get3A_727 : vector<16xf32>
      %mul3A_729 = arith.constant 20 : i32
      %mul3A_730 = arith.muli %scan3A_106, %mul3A_729 : i32
      %add3A_731 = arith.constant 9 : i32
      %add3A_732 = arith.addi %mul3A_730, %add3A_731 : i32
      %get3A_733 = arith.index_cast %add3A_732 : i32 to index
      %get3A_734 = arith.constant 48 : index
      %get3A_735 = tpu.vector_load %arg6[%get3A_733, %get3A_734] {strides = array<i32>} : memref<640x64xf32, #tpu.memory_space<vmem>>, vector<1x16xf32>,
      %get3A_736 = vector.shape_cast %get3A_735 : vector<1x16xf32> to vector<16xf32>
      %add3A_737 = arith.addf %add3A_728, %get3A_736 : vector<16xf32>
      %mul3A_738 = arith.constant 20 : i32
      %mul3A_739 = arith.muli %scan3A_106, %mul3A_738 : i32
      %add3A_740 = arith.constant 10 : i32
      %add3A_741 = arith.addi %mul3A_739, %add3A_740 : i32
      %get3A_742 = arith.index_cast %add3A_741 : i32 to index
      %get3A_743 = arith.constant 48 : index
      %get3A_744 = tpu.vector_load %arg6[%get3A_742, %get3A_743] {strides = array<i32>} : memref<640x64xf32, #tpu.memory_space<vmem>>, vector<1x16xf32>,
      %get3A_745 = vector.shape_cast %get3A_744 : vector<1x16xf32> to vector<16xf32>
      %add3A_746 = arith.addf %add3A_737, %get3A_745 : vector<16xf32>
      %mul3A_747 = arith.constant 20 : i32
      %mul3A_748 = arith.muli %scan3A_106, %mul3A_747 : i32
      %add3A_749 = arith.constant 11 : i32
      %add3A_750 = arith.addi %mul3A_748, %add3A_749 : i32
      %get3A_751 = arith.index_cast %add3A_750 : i32 to index
      %get3A_752 = arith.constant 48 : index
      %get3A_753 = tpu.vector_load %arg6[%get3A_751, %get3A_752] {strides = array<i32>} : memref<640x64xf32, #tpu.memory_space<vmem>>, vector<1x16xf32>,
      %get3A_754 = vector.shape_cast %get3A_753 : vector<1x16xf32> to vector<16xf32>
      %add3A_755 = arith.addf %add3A_746, %get3A_754 : vector<16xf32>
      %mul3A_756 = arith.constant 20 : i32
      %mul3A_757 = arith.muli %scan3A_106, %mul3A_756 : i32
      %add3A_758 = arith.constant 12 : i32
      %add3A_759 = arith.addi %mul3A_757, %add3A_758 : i32
      %get3A_760 = arith.index_cast %add3A_759 : i32 to index
      %get3A_761 = arith.constant 48 : index
      %get3A_762 = tpu.vector_load %arg6[%get3A_760, %get3A_761] {strides = array<i32>} : memref<640x64xf32, #tpu.memory_space<vmem>>, vector<1x16xf32>,
      %get3A_763 = vector.shape_cast %get3A_762 : vector<1x16xf32> to vector<16xf32>
      %add3A_764 = arith.addf %add3A_755, %get3A_763 : vector<16xf32>
      %mul3A_765 = arith.constant 20 : i32
      %mul3A_766 = arith.muli %scan3A_106, %mul3A_765 : i32
      %add3A_767 = arith.constant 13 : i32
      %add3A_768 = arith.addi %mul3A_766, %add3A_767 : i32
      %get3A_769 = arith.index_cast %add3A_768 : i32 to index
      %get3A_770 = arith.constant 48 : index
      %get3A_771 = tpu.vector_load %arg6[%get3A_769, %get3A_770] {strides = array<i32>} : memref<640x64xf32, #tpu.memory_space<vmem>>, vector<1x16xf32>,
      %get3A_772 = vector.shape_cast %get3A_771 : vector<1x16xf32> to vector<16xf32>
      %add3A_773 = arith.addf %add3A_764, %get3A_772 : vector<16xf32>
      %mul3A_774 = arith.constant 20 : i32
      %mul3A_775 = arith.muli %scan3A_106, %mul3A_774 : i32
      %add3A_776 = arith.constant 14 : i32
      %add3A_777 = arith.addi %mul3A_775, %add3A_776 : i32
      %get3A_778 = arith.index_cast %add3A_777 : i32 to index
      %get3A_779 = arith.constant 48 : index
      %get3A_780 = tpu.vector_load %arg6[%get3A_778, %get3A_779] {strides = array<i32>} : memref<640x64xf32, #tpu.memory_space<vmem>>, vector<1x16xf32>,
      %get3A_781 = vector.shape_cast %get3A_780 : vector<1x16xf32> to vector<16xf32>
      %add3A_782 = arith.addf %add3A_773, %get3A_781 : vector<16xf32>
      %mul3A_783 = arith.constant 20 : i32
      %mul3A_784 = arith.muli %scan3A_106, %mul3A_783 : i32
      %add3A_785 = arith.constant 15 : i32
      %add3A_786 = arith.addi %mul3A_784, %add3A_785 : i32
      %get3A_787 = arith.index_cast %add3A_786 : i32 to index
      %get3A_788 = arith.constant 48 : index
      %get3A_789 = tpu.vector_load %arg6[%get3A_787, %get3A_788] {strides = array<i32>} : memref<640x64xf32, #tpu.memory_space<vmem>>, vector<1x16xf32>,
      %get3A_790 = vector.shape_cast %get3A_789 : vector<1x16xf32> to vector<16xf32>
      %add3A_791 = arith.addf %add3A_782, %get3A_790 : vector<16xf32>
      %mul3A_792 = arith.constant 20 : i32
      %mul3A_793 = arith.muli %scan3A_106, %mul3A_792 : i32
      %add3A_794 = arith.constant 16 : i32
      %add3A_795 = arith.addi %mul3A_793, %add3A_794 : i32
      %get3A_796 = arith.index_cast %add3A_795 : i32 to index
      %get3A_797 = arith.constant 48 : index
      %get3A_798 = tpu.vector_load %arg6[%get3A_796, %get3A_797] {strides = array<i32>} : memref<640x64xf32, #tpu.memory_space<vmem>>, vector<1x16xf32>,
      %get3A_799 = vector.shape_cast %get3A_798 : vector<1x16xf32> to vector<16xf32>
      %add3A_800 = arith.addf %add3A_791, %get3A_799 : vector<16xf32>
      %mul3A_801 = arith.constant 20 : i32
      %mul3A_802 = arith.muli %scan3A_106, %mul3A_801 : i32
      %add3A_803 = arith.constant 17 : i32
      %add3A_804 = arith.addi %mul3A_802, %add3A_803 : i32
      %get3A_805 = arith.index_cast %add3A_804 : i32 to index
      %get3A_806 = arith.constant 48 : index
      %get3A_807 = tpu.vector_load %arg6[%get3A_805, %get3A_806] {strides = array<i32>} : memref<640x64xf32, #tpu.memory_space<vmem>>, vector<1x16xf32>,
      %get3A_808 = vector.shape_cast %get3A_807 : vector<1x16xf32> to vector<16xf32>
      %add3A_809 = arith.addf %add3A_800, %get3A_808 : vector<16xf32>
      %mul3A_810 = arith.constant 20 : i32
      %mul3A_811 = arith.muli %scan3A_106, %mul3A_810 : i32
      %add3A_812 = arith.constant 18 : i32
      %add3A_813 = arith.addi %mul3A_811, %add3A_812 : i32
      %get3A_814 = arith.index_cast %add3A_813 : i32 to index
      %get3A_815 = arith.constant 48 : index
      %get3A_816 = tpu.vector_load %arg6[%get3A_814, %get3A_815] {strides = array<i32>} : memref<640x64xf32, #tpu.memory_space<vmem>>, vector<1x16xf32>,
      %get3A_817 = vector.shape_cast %get3A_816 : vector<1x16xf32> to vector<16xf32>
      %add3A_818 = arith.addf %add3A_809, %get3A_817 : vector<16xf32>
      %mul3A_819 = arith.constant 20 : i32
      %mul3A_820 = arith.muli %scan3A_106, %mul3A_819 : i32
      %add3A_821 = arith.constant 19 : i32
      %add3A_822 = arith.addi %mul3A_820, %add3A_821 : i32
      %get3A_823 = arith.index_cast %add3A_822 : i32 to index
      %get3A_824 = arith.constant 48 : index
      %get3A_825 = tpu.vector_load %arg6[%get3A_823, %get3A_824] {strides = array<i32>} : memref<640x64xf32, #tpu.memory_space<vmem>>, vector<1x16xf32>,
      %get3A_826 = vector.shape_cast %get3A_825 : vector<1x16xf32> to vector<16xf32>
      %add3A_827 = arith.addf %add3A_818, %get3A_826 : vector<16xf32>
      %swap3A_828 = arith.index_cast %scan3A_106 : i32 to index
      %swap3A_829 = arith.constant 48 : index
      %swap3A_830 = tpu.vector_load %arg7[%swap3A_828, %swap3A_829] {strides = array<i32>} : memref<32x64xf32, #tpu.memory_space<vmem>>, vector<1x16xf32>,
      %swap3A_831 = vector.shape_cast %swap3A_830 : vector<1x16xf32> to vector<16xf32>
      %swap3A_832 = vector.shape_cast %add3A_827 : vector<16xf32> to vector<1x16xf32>
      tpu.vector_store %arg7[%swap3A_828, %swap3A_829], %swap3A_832 {strides = array<i32>} : memref<32x64xf32, #tpu.memory_space<vmem>>, vector<1x16xf32>,
    }
    %scan3A_103 = arith.constant 32 : i32
    %mul3A_104 = arith.constant 32 : i32
    %mul3A_105 = arith.muli %add3A, %mul3A_104 : i32
    "tpu.region"() ({
      %run_scoped3A = tpu.sem_alloc : memref<!tpu.dma_semaphore, #tpu.memory_space<semaphore_mem>>
      %dma_start3A_106 = arith.constant 0 : i32
      %dma_start3A_107 = tpu.memref_slice %arg4[%mul3A_105, %dma_start3A_106] : memref<1024x64xf32, #tpu.memory_space<hbm>> -> memref<32x64xf32, #tpu.memory_space<hbm>>
      %dma_start3A_108 = arith.constant 0 : i32
      %dma_start3A_109 = tpu.memref_slice %arg4[%mul3A_105, %dma_start3A_108] : memref<1024x64xf32, #tpu.memory_space<hbm>> -> memref<32x64xf32, #tpu.memory_space<hbm>>
      tpu.enqueue_dma source(%arg7 : memref<32x64xf32, #tpu.memory_space<vmem>>) target(%dma_start3A_109 : memref<32x64xf32, #tpu.memory_space<hbm>>) target_semaphore(%run_scoped3A : memref<!tpu.dma_semaphore, #tpu.memory_space<semaphore_mem>>)
      %dma_wait3A_110 = arith.constant 0 : i32
      %dma_wait3A_111 = tpu.memref_slice %arg4[%mul3A_105, %dma_wait3A_110] : memref<1024x64xf32, #tpu.memory_space<hbm>> -> memref<32x64xf32, #tpu.memory_space<hbm>>
      %dma_wait3A_112 = arith.constant 0 : i32
      %dma_wait3A_113 = tpu.memref_slice %arg4[%mul3A_105, %dma_wait3A_112] : memref<1024x64xf32, #tpu.memory_space<hbm>> -> memref<32x64xf32, #tpu.memory_space<hbm>>
      tpu.wait_dma2 semaphore(%run_scoped3A : memref<!tpu.dma_semaphore, #tpu.memory_space<semaphore_mem>>) src(%arg7 : memref<32x64xf32, #tpu.memory_space<vmem>>) dst(%dma_wait3A_113 : memref<32x64xf32, #tpu.memory_space<hbm>>)
      tpu.yield
    }) : () -> ()
    return
  }
}

module attributes {stable_mosaic.version = 14 : i64} {
  func.func @_fused_body(%arg0: i32, %arg1: memref<65x1024xf32, #tpu.memory_space<vmem>>, %arg2: memref<65x1024xf32, #tpu.memory_space<vmem>>, %arg3: memref<65x2048xf32, #tpu.memory_space<vmem>>, %arg4: memref<2048x1024xf32, #tpu.memory_space<vmem>>, %arg5: memref<1x1024xf32, #tpu.memory_space<vmem>>, %arg6: memref<1x1024xf32, #tpu.memory_space<vmem>>, %arg7: memref<1x1024xf32, #tpu.memory_space<vmem>>) attributes {dimension_semantics = [#tpu.dimension_semantics<arbitrary>], iteration_bounds = array<i64: 98>, scalar_prefetch = 0 : i64, scratch_operands = 3 : i64, tpu.core_type = #tpu.core_type<tc>, window_params = [{pipeline_mode = #tpu.pipeline_mode<synchronous>, transform_indices = @transform_0, window_bounds = array<i64: 65, 1024>}, {pipeline_mode = #tpu.pipeline_mode<synchronous>, transform_indices = @transform_1, window_bounds = array<i64: 65, 1024>}, {transform_indices = @transform_2, window_bounds = array<i64: 65, 2048>}, {transform_indices = @transform_3, window_bounds = array<i64: 2048, 1024>}]} {
    %eq3A = arith.constant 0 : i32
    %eq3A_0 = arith.cmpi eq, %arg0, %eq3A : i32
    %convert_element_type3A = arith.extui %eq3A_0 : i1 to i32
    %cond3A = arith.constant 0 : i32
    %cond3A_1 = arith.cmpi ne, %convert_element_type3A, %cond3A : i32
    scf.if %cond3A_1 {
      %broadcast_in_dim3A = arith.constant 0xFF800000 : f32
      %broadcast_in_dim3A_15 = vector.broadcast %broadcast_in_dim3A : f32 to vector<1x1024xf32>
      %swap3A = arith.constant 0 : index
      %swap3A_16 = arith.constant 0 : index
      %swap3A_17 = vector.load %arg5[%swap3A, %swap3A_16] : memref<1x1024xf32, #tpu.memory_space<vmem>>, vector<1x1024xf32>
      tpu.vector_store %arg5[%swap3A, %swap3A_16], %broadcast_in_dim3A_15 {strides = array<i32>} : memref<1x1024xf32, #tpu.memory_space<vmem>>, vector<1x1024xf32>,
      %broadcast_in_dim3A_18 = arith.constant 0.000000e+00 : f32
      %broadcast_in_dim3A_19 = vector.broadcast %broadcast_in_dim3A_18 : f32 to vector<1x1024xf32>
      %swap3A_20 = arith.constant 0 : index
      %swap3A_21 = arith.constant 0 : index
      %swap3A_22 = vector.load %arg6[%swap3A_20, %swap3A_21] : memref<1x1024xf32, #tpu.memory_space<vmem>>, vector<1x1024xf32>
      tpu.vector_store %arg6[%swap3A_20, %swap3A_21], %broadcast_in_dim3A_19 {strides = array<i32>} : memref<1x1024xf32, #tpu.memory_space<vmem>>, vector<1x1024xf32>,
    } else {
    }
    %lt3A = arith.constant 49 : i32
    %lt3A_2 = arith.cmpi slt, %arg0, %lt3A : i32
    %convert_element_type3A_3 = arith.extui %lt3A_2 : i1 to i32
    %cond3A_4 = arith.constant 0 : i32
    %cond3A_5 = arith.cmpi ne, %convert_element_type3A_3, %cond3A_4 : i32
    scf.if %cond3A_5 {
      %get3A = arith.constant 0 : index
      %get3A_15 = arith.constant 0 : index
      %get3A_16 = vector.load %arg3[%get3A, %get3A_15] : memref<65x2048xf32, #tpu.memory_space<vmem>>, vector<65x2048xf32>
      %get3A_17 = arith.constant 0 : index
      %get3A_18 = arith.constant 0 : index
      %get3A_19 = vector.load %arg1[%get3A_17, %get3A_18] : memref<65x1024xf32, #tpu.memory_space<vmem>>, vector<65x1024xf32>
      %dot_general3A = arith.constant dense<0.000000e+00> : vector<2048x1024xf32>
      %dot_general3A_20 = tpu.matmul %get3A_16, %get3A_19, %dot_general3A {dimension_numbers = #tpu.dot_dimension_numbers<[0], [0], [1], [1], [0, 1, 1, 1], [], []>, transpose_lhs_hint = false} : vector<65x2048xf32>, vector<65x1024xf32>, vector<2048x1024xf32> -> vector<2048x1024xf32>
      %reduce_max3A = arith.constant dense<0xFF800000> : vector<1024xf32>
      %reduce_max3A_21 = vector.multi_reduction <maximumf>, %dot_general3A_20, %reduce_max3A [0] : vector<2048x1024xf32> to vector<1024xf32>
      %broadcast_in_dim3A = vector.shape_cast %reduce_max3A_21 : vector<1024xf32> to vector<1x1024xf32>
      %get3A_22 = arith.constant 0 : index
      %get3A_23 = arith.constant 0 : index
      %get3A_24 = vector.load %arg5[%get3A_22, %get3A_23] : memref<1x1024xf32, #tpu.memory_space<vmem>>, vector<1x1024xf32>
      %max3A = arith.maximumf %get3A_24, %broadcast_in_dim3A : vector<1x1024xf32>
      %get3A_25 = arith.constant 0 : index
      %get3A_26 = arith.constant 0 : index
      %get3A_27 = vector.load %arg6[%get3A_25, %get3A_26] : memref<1x1024xf32, #tpu.memory_space<vmem>>, vector<1x1024xf32>
      %sub3A = arith.subf %get3A_24, %max3A : vector<1x1024xf32>
      %exp23A = math.exp2 %sub3A : vector<1x1024xf32>
      %mul3A = arith.mulf %get3A_27, %exp23A : vector<1x1024xf32>
      %sub3A_28 = vector.broadcast %max3A : vector<1x1024xf32> to vector<2048x1024xf32>
      %sub3A_29 = arith.subf %dot_general3A_20, %sub3A_28 : vector<2048x1024xf32>
      %exp23A_30 = math.exp2 %sub3A_29 : vector<2048x1024xf32>
      %reduce_sum3A = arith.constant dense<0.000000e+00> : vector<1024xf32>
      %reduce_sum3A_31 = vector.multi_reduction <add>, %exp23A_30, %reduce_sum3A [0] : vector<2048x1024xf32> to vector<1024xf32>
      %broadcast_in_dim3A_32 = vector.shape_cast %reduce_sum3A_31 : vector<1024xf32> to vector<1x1024xf32>
      %add3A = arith.addf %mul3A, %broadcast_in_dim3A_32 : vector<1x1024xf32>
      %swap3A = arith.constant 0 : index
      %swap3A_33 = arith.constant 0 : index
      %swap3A_34 = vector.load %arg6[%swap3A, %swap3A_33] : memref<1x1024xf32, #tpu.memory_space<vmem>>, vector<1x1024xf32>
      tpu.vector_store %arg6[%swap3A, %swap3A_33], %add3A {strides = array<i32>} : memref<1x1024xf32, #tpu.memory_space<vmem>>, vector<1x1024xf32>,
      %swap3A_35 = arith.constant 0 : index
      %swap3A_36 = arith.constant 0 : index
      %swap3A_37 = vector.load %arg5[%swap3A_35, %swap3A_36] : memref<1x1024xf32, #tpu.memory_space<vmem>>, vector<1x1024xf32>
      tpu.vector_store %arg5[%swap3A_35, %swap3A_36], %max3A {strides = array<i32>} : memref<1x1024xf32, #tpu.memory_space<vmem>>, vector<1x1024xf32>,
    } else {
    }
    %eq3A_6 = arith.constant 48 : i32
    %eq3A_7 = arith.cmpi eq, %arg0, %eq3A_6 : i32
    %convert_element_type3A_8 = arith.extui %eq3A_7 : i1 to i32
    %cond3A_9 = arith.constant 0 : i32
    %cond3A_10 = arith.cmpi ne, %convert_element_type3A_8, %cond3A_9 : i32
    scf.if %cond3A_10 {
      %get3A = arith.constant 0 : index
      %get3A_15 = arith.constant 0 : index
      %get3A_16 = vector.load %arg5[%get3A, %get3A_15] : memref<1x1024xf32, #tpu.memory_space<vmem>>, vector<1x1024xf32>
      %get3A_17 = arith.constant 0 : index
      %get3A_18 = arith.constant 0 : index
      %get3A_19 = vector.load %arg6[%get3A_17, %get3A_18] : memref<1x1024xf32, #tpu.memory_space<vmem>>, vector<1x1024xf32>
      %log3A = math.log %get3A_19 : vector<1x1024xf32>
      %log3A_20 = arith.constant 2.000000e+00 : f32
      %log3A_21 = math.log %log3A_20 : f32
      %div3A = vector.broadcast %log3A_21 : f32 to vector<1x1024xf32>
      %div3A_22 = arith.divf %log3A, %div3A : vector<1x1024xf32>
      %add3A = arith.addf %get3A_16, %div3A_22 : vector<1x1024xf32>
      %mul3A = arith.constant 0.693147182 : f32
      %mul3A_23 = vector.broadcast %mul3A : f32 to vector<1x1024xf32>
      %mul3A_24 = arith.mulf %add3A, %mul3A_23 : vector<1x1024xf32>
      %swap3A = arith.constant 0 : index
      %swap3A_25 = arith.constant 0 : index
      %swap3A_26 = vector.load %arg7[%swap3A, %swap3A_25] : memref<1x1024xf32, #tpu.memory_space<vmem>>, vector<1x1024xf32>
      tpu.vector_store %arg7[%swap3A, %swap3A_25], %mul3A_24 {strides = array<i32>} : memref<1x1024xf32, #tpu.memory_space<vmem>>, vector<1x1024xf32>,
    } else {
    }
    %ge3A = arith.constant 49 : i32
    %ge3A_11 = arith.cmpi sge, %arg0, %ge3A : i32
    %convert_element_type3A_12 = arith.extui %ge3A_11 : i1 to i32
    %cond3A_13 = arith.constant 0 : i32
    %cond3A_14 = arith.cmpi ne, %convert_element_type3A_12, %cond3A_13 : i32
    scf.if %cond3A_14 {
      %get3A = arith.constant 0 : index
      %get3A_15 = arith.constant 0 : index
      %get3A_16 = vector.load %arg3[%get3A, %get3A_15] : memref<65x2048xf32, #tpu.memory_space<vmem>>, vector<65x2048xf32>
      %get3A_17 = arith.constant 0 : index
      %get3A_18 = arith.constant 0 : index
      %get3A_19 = vector.load %arg2[%get3A_17, %get3A_18] : memref<65x1024xf32, #tpu.memory_space<vmem>>, vector<65x1024xf32>
      %dot_general3A = arith.constant dense<0.000000e+00> : vector<2048x1024xf32>
      %dot_general3A_20 = tpu.matmul %get3A_16, %get3A_19, %dot_general3A {dimension_numbers = #tpu.dot_dimension_numbers<[0], [0], [1], [1], [0, 1, 1, 1], [], []>, transpose_lhs_hint = false} : vector<65x2048xf32>, vector<65x1024xf32>, vector<2048x1024xf32> -> vector<2048x1024xf32>
      %get3A_21 = arith.constant 0 : index
      %get3A_22 = arith.constant 0 : index
      %get3A_23 = vector.load %arg7[%get3A_21, %get3A_22] : memref<1x1024xf32, #tpu.memory_space<vmem>>, vector<1x1024xf32>
      %sub3A = vector.broadcast %get3A_23 : vector<1x1024xf32> to vector<2048x1024xf32>
      %sub3A_24 = arith.subf %dot_general3A_20, %sub3A : vector<2048x1024xf32>
      %swap3A = arith.constant 0 : index
      %swap3A_25 = arith.constant 0 : index
      %swap3A_26 = vector.load %arg4[%swap3A, %swap3A_25] : memref<2048x1024xf32, #tpu.memory_space<vmem>>, vector<2048x1024xf32>
      tpu.vector_store %arg4[%swap3A, %swap3A_25], %sub3A_24 {strides = array<i32>} : memref<2048x1024xf32, #tpu.memory_space<vmem>>, vector<2048x1024xf32>,
    } else {
    }
    return
  }
  func.func @transform_0(%arg0: i32) -> (i32, i32) {
    %c0_i32 = arith.constant 0 : i32
    %c0_i32_0 = arith.constant 0 : i32
    %c0_i32_1 = arith.constant 0 : i32
    return %c0_i32, %c0_i32_0 : i32, i32
  }
  func.func @transform_1(%arg0: i32) -> (i32, i32) {
    %c0_i32 = arith.constant 0 : i32
    %c0_i32_0 = arith.constant 0 : i32
    %c0_i32_1 = arith.constant 0 : i32
    return %c0_i32, %c0_i32_0 : i32, i32
  }
  func.func @transform_2(%arg0: i32) -> (i32, i32) {
    %lt3A = arith.constant 49 : i32
    %lt3A_0 = arith.cmpi slt, %arg0, %lt3A : i32
    %sub3A = arith.constant 49 : i32
    %sub3A_1 = arith.subi %arg0, %sub3A : i32
    %select_n3A = arith.select %lt3A_0, %arg0, %sub3A_1 : i32
    %c0_i32 = arith.constant 0 : i32
    %c0_i32_2 = arith.constant 0 : i32
    return %c0_i32, %select_n3A : i32, i32
  }
  func.func @transform_3(%arg0: i32) -> (i32, i32) {
    %lt3A = arith.constant 49 : i32
    %lt3A_0 = arith.cmpi slt, %arg0, %lt3A : i32
    %sub3A = arith.constant 49 : i32
    %sub3A_1 = arith.subi %arg0, %sub3A : i32
    %jit3A = arith.constant 0 : i32
    %select_n3A = arith.select %lt3A_0, %jit3A, %sub3A_1 : i32
    %c0_i32 = arith.constant 0 : i32
    %c0_i32_2 = arith.constant 0 : i32
    return %select_n3A, %c0_i32 : i32, i32
  }
}

</mosaic_0001>

<sc_bundles>
// kernel: kernel.4.cloned.1.call-start
scs
__scs_entry_jumppad:
0x0: {  	(pc) =	sbr.rel $0x88, $3  }
0x1: {  	(tag) =	ssettag $0x0;
	lr =	simm.s32 $0x1  }
0x2: {  	[smem:$0x3F9D] =	sst lr;
	_ =	strace $0xD0000000  }
0x3: {  	_ = 	snop  }
0x4: {  	_ = 	snop  }
0x5: {  	_ = 	snop  }
0x6: {  	_ = 	snop  }
0x7: {  	_ = 	snop  }
__scs_overlays_trampoline_lowered:
0x8: {  	[smem:$0x3FAC] =	sst s0  }
0x9: {  	[smem:$0x3FAD] =	sst s1  }
0xa: {  	[smem:$0x3FAE] =	sst s2  }
0xb: {  	[smem:$0x3FAF] =	sst s3  }
0xc: {  	[smem:$0x3FB0] =	sst s4  }
0xd: {  	[smem:$0x3FB1] =	sst s5  }
0xe: {  	[smem:$0x3FB2] =	sst s6  }
0xf: {  	[smem:$0x3FB3] =	sst s7  }
0x10: {  	[smem:$0x3FB4] =	sst s8  }
0x11: {  	[smem:$0x3FB5] =	sst s9;
	s0 =	simm.s32 @!p0 $0x0  }
0x12: {  	s1 =	sld [smem:$0x3F9B];
	s0 =	simm.s32 @p0 $0x1  }
0x13: {  	[smem:$0x3FB6] =	sst s0;
	s0 =	simm.s32 @!p1 $0x0  }
0x14: {  	s2 =	sld [smem:$0x3F9A];
	s0 =	simm.s32 @p1 $0x1  }
0x15: {  	[smem:$0x3FB7] =	sst s0;
	s0 =	simm.s32 @!p2 $0x0  }
0x16: {  	s3 =	sld [smem:$0x3FDB];
	s0 =	simm.s32 @p2 $0x1  }
0x17: {  	s4 =	simm.s32 $0x1BF5;
	[smem:$0x3FB9] =	sst s0  }
0x18: {  	s0 =	sld [smem:$0x3F9C];
	_ =	swait.ge [sflag:s4], $0x0  }
0x19: {  	s7 =	sld [smem:$0x3F9D]  }
0x1a: {  	s8 =	sadd.s32 $0xFFFFE003, lr  }
0x1b: {  	s9 =	sadd.s32 $0xFFFFFEF7, lr;
	s5 =	simm.s32 $0xFFFFFFFF;
	p2 =	slt.u32 s8, $0xFFFFF086  }
0x1c: {  	p1 =	slt.u32 s9, $0xF7A;
	s5 =	simm.s32 @!p2 $0x0  }
0x1d: {  	s5 =	simm.s32 @p1 $0x1;
	p0 =	seq.s32 s7, s2  }
0x1e: {  	s7 =	smul.u32 @!p0 $0xF7A, s2;
	p2 =	seq.s32 @!p0 s5, $0x0  }
0x1f: {  	s9 =	smul.u32 $0xF7A, s1;
	s8 =	simm.s32 @!p0 $0x1BF5;
	p2 =	por !p2, p0  }
0x20: {  	[sflag:s8] =	ssyncset.s32 @!p0 $0xFFFFF086;
	s6 =	sadd.s32 @!p0 s3, s7;
	s7 =	simm.s32 @!p0 $0x108  }
0x21: {  	s3 =	sadd.s32 s3, s9;
	s6 =	sadd.s32 @!p0 $0x88, s6;
	s7 =	simm.s32 @p2 $0x1082  }
0x22: {  	[simem:s7], [sflag:s8] =	dma.local @!p0 [hbm:s6], $0xF7A  }
0x23: {  	s9 =	sor.u32 $0xD0000000, s2;
	s6 =	simm.s32 $0x108;
	_ =	swait.ge @!p0 [sflag:s8], $0x0  }
0x24: {  	s3 =	sadd.s32 $0x88, s3;
	s6 =	simm.s32 @!p1 $0x1082;
	[sflag:s4] =	ssyncset.s32 $0xFFFFF086  }
0x25: {  	[simem:s6], [sflag:s4] =	dma.local [hbm:s3], $0xF7A  }
0x26: {  	[smem:$0x3F9D] =	sst s1;
	(tag) =	ssettag s2;
	_ =	strace s9  }
0x27: {  	s1 =	sld [smem:$0x3FAD]  }
0x28: {  	s2 =	sld [smem:$0x3FAE]  }
0x29: {  	s4 =	sld [smem:$0x3FB0]  }
0x2a: {  	p0 =	seq.s32 s5, $0x0;
	s5 =	sld [smem:$0x3FB1]  }
0x2b: {  	s6 =	sld [smem:$0x3FB2]  }
0x2c: {  	s7 =	sld [smem:$0x3FB3]  }
0x2d: {  	s3 =	simm.s32 $0x108;
	s8 =	sld [smem:$0x3FB4]  }
0x2e: {  	s3 =	simm.s32 @!p0 $0x1082;
	s9 =	sld [smem:$0x3FB5]  }
0x2f: {  	lr =	sadd.s32 s0, s3;
	s0 =	sld [smem:$0x3FAC]  }
0x30: {  	s3 =	sld [smem:$0x3FAF]  }
0x31: {  	[smem:$0x3FB8] =	sst s10  }
0x32: {  	s10 =	sld [smem:$0x3FB6];
	_ =	sdelay $0x3  }
0x33: {  	p0 =	seq.s32 s10, $0x1;
	s10 =	sld [smem:$0x3FB8];
	_ =	sdelay $0x3  }
0x34: {  	[smem:$0x3FB8] =	sst s10  }
0x35: {  	s10 =	sld [smem:$0x3FB7];
	_ =	sdelay $0x3  }
0x36: {  	p1 =	seq.s32 s10, $0x1;
	s10 =	sld [smem:$0x3FB8];
	_ =	sdelay $0x3  }
0x37: {  	[smem:$0x3FB8] =	sst s10  }
0x38: {  	s10 =	sld [smem:$0x3FB9]  }
0x39: {  	_ = 	snop;
	(pc) =	sbr.ind lr, $3  }
0x3a: {  	_ = 	snop  }
0x3b: {  	_ = 	snop  }
0x3c: {  	p2 =	seq.s32 s10, $0x1;
	s10 =	sld [smem:$0x3FB8]  }
0x3d: {  	_ =	shalt  }
0x3e: {  	_ =	shalt  }
0x3f: {  	_ =	shalt  }
0x40: {  	_ =	shalt  }
0x41: {  	_ =	shalt  }
0x42: {  	_ =	shalt  }
0x43: {  	_ =	shalt  }
0x44: {  	_ =	shalt  }
0x45: {  	_ =	shalt  }
0x46: {  	_ =	shalt  }
0x47: {  	_ =	shalt  }
0x48: {  	_ =	shalt  }
0x49: {  	_ =	shalt  }
0x4a: {  	_ =	shalt  }
0x4b: {  	_ =	shalt  }
0x4c: {  	_ =	shalt  }
0x4d: {  	_ =	shalt  }
0x4e: {  	_ =	shalt  }
0x4f: {  	_ =	shalt  }
0x50: {  	_ =	shalt  }
0x51: {  	_ =	shalt  }
0x52: {  	_ =	shalt  }
0x53: {  	_ =	shalt  }
0x54: {  	_ =	shalt  }
0x55: {  	_ =	shalt  }
0x56: {  	_ =	shalt  }
0x57: {  	_ =	shalt  }
0x58: {  	_ =	shalt  }
0x59: {  	_ =	shalt  }
0x5a: {  	_ =	shalt  }
0x5b: {  	_ =	shalt  }
0x5c: {  	_ =	shalt  }
0x5d: {  	_ =	shalt  }
0x5e: {  	_ =	shalt  }
0x5f: {  	_ =	shalt  }
0x60: {  	_ =	shalt  }
0x61: {  	_ =	shalt  }
0x62: {  	_ =	shalt  }
0x63: {  	_ =	shalt  }
0x64: {  	_ =	shalt  }
0x65: {  	_ =	shalt  }
0x66: {  	_ =	shalt  }
0x67: {  	_ =	shalt  }
0x68: {  	_ =	shalt  }
0x69: {  	_ =	shalt  }
0x6a: {  	_ =	shalt  }
0x6b: {  	_ =	shalt  }
0x6c: {  	_ =	shalt  }
0x6d: {  	_ =	shalt  }
0x6e: {  	_ =	shalt  }
0x6f: {  	_ =	shalt  }
0x70: {  	_ =	shalt  }
0x71: {  	_ =	shalt  }
0x72: {  	_ =	shalt  }
0x73: {  	_ =	shalt  }
0x74: {  	_ =	shalt  }
0x75: {  	_ =	shalt  }
0x76: {  	_ =	shalt  }
0x77: {  	_ =	shalt  }
0x78: {  	_ =	shalt  }
0x79: {  	_ =	shalt  }
0x7a: {  	_ =	shalt  }
0x7b: {  	_ =	shalt  }
0x7c: {  	_ =	shalt  }
0x7d: {  	_ =	shalt  }
0x7e: {  	_ =	shalt  }
0x7f: {  	_ =	shalt  }
0x80: {  	_ =	shalt  }
0x81: {  	_ =	shalt  }
0x82: {  	_ =	shalt  }
0x83: {  	_ =	shalt  }
0x84: {  	_ =	shalt  }
0x85: {  	_ =	shalt  }
0x86: {  	_ =	shalt  }
0x87: {  	_ =	shalt  }
.Lfunc_end0:
.L_simem_size_0:
called_computation_lowered:
.L_overlay_start_0:
0x88: {  	s2 =	sld [smem:$0x3FD9]  }
0x89: {  	s3 =	sld [smem:$0x3FFE];
	_ =	sdelay $0x1  }
0x8a: {  	s1 =	srdreg.scid  }
0x8b: {  	s0 =	sand.u32 $0x1, s1  }
0x8c: {  	s17 =	sshll.u32 s0, $0xA;
	s2 =	sadd.s32 s3, s2  }
0x8d: {  	s2 =	sadd.s32 s2, s17  }
0x8e: {  	[smem:$0x3FC4] =	sst s2  }
0x8f: {  	_ = 	snop  }
0x90: {  	s2 =	sld [smem:$0x3FD0];
	(tm) =	ssettm $0x1  }
0x91: {  	s18 =	sld [smem:$0x3FFB];
	_ =	sdelay $0x3  }
0x92: {  	_ =	strace s18  }
0x93: {  	s3 =	sld [smem:$0x3FFC];
	_ =	sdelay $0x3  }
0x94: {  	_ =	strace s3  }
0x95: {  	s3 =	sld [smem:$0x3FFD];
	_ =	sdelay $0x3  }
0x96: {  	_ =	strace s3  }
0x97: {  	_ =	strace $0x8FFFFFFF  }
0x98: {  	s19 =	sld [smem:$0x3FDB];
	_ =	sdelay $0x1  }
0x99: {  	s4 =	simm.s32 $_scs_section_size  }
0x9a: {  	s5 =	simm.s32 $_size__tile_overlayer_lowered;
	s6 =	simm.s32 $_tile_overlayer_lowered  }
0x9b: {  	s22 =	simm.s32 $0x1BFF;
	s21 =	sshll.u32 s6, $0x1;
	s3 =	sadd.s32 s4, s19  }
0x9c: {  	s7 =	simm.s32 $0x0;
	s20 =	sshll.u32 s5, $0x1;
	s5 =	sadd.s32 s21, s3  }
0x9d: {  	[timem:s7], [sflag:s22] =	dma.local [hbm:s5], s20  }
0x9e: {  	_ =	swait.ge [sflag:s22], s20  }
0x9f: {  	s4 =	ssub.s32 $0x0, s20;
	[sflag:s22] =	ssyncset.done $0x0  }
0xa0: {  	[sflag:s22] =	ssyncadd.s32 s4;
	_ =	sdelay $0x1  }
0xa1: {  	s23 =	simm.s32 $0x1B8B  }
0xa2: {  	_ =	swait.ge [sflag:s23], $0x1  }
0xa3: {  	[sflag:s23] =	ssyncset.done $0x0  }
0xa4: {  	s25 =	simm.s32 $0x1B8E;
	s24 =	sld [smem:$0x3FFE];
	[sflag:s23] =	ssyncadd.s32 $0xFFFFFFFF  }
0xa5: {  	s26 =	simm.s32 $execute0_lowered;
	[smem:$0x3FD2] =	sst s25  }
0xa6: {  	s5 =	sshll.u32 s26, $0x1;
	_ =	strace $0x80000046;
	[dreg:$0x1] =	wrdreg $0xFFFFFFFF  }
0xa7: {  	s28 =	simm.s32 $_size_execute0_lowered;
	s3 =	sadd.s32 s3, s5;
	[dreg:$0x0] =	wrdreg $0x0  }
0xa8: {  	s5 =	sshll.u32 s28, $0x1;
	[dreg:$0x2] =	wrdreg s3  }
0xa9: {  	[dreg:$0x3] =	wrdreg s5  }
0xaa: {  	[dreg:$0x4] =	wrdreg $0xC0  }
0xab: {  	_ =	task [dreg:s7], $0x5FFFF  }
0xac: {  	[dreg:$0x1] =	wrdreg $0xFFFFFFFF  }
0xad: {  	[dreg:$0x0] =	wrdreg $0x60  }
0xae: {  	[dreg:$0x2] =	wrdreg s24  }
0xaf: {  	[dreg:$0x3] =	wrdreg s2  }
0xb0: {  	[dreg:$0x4] =	wrdreg $0x9  }
0xb1: {  	_ =	task.clear_ibuf [dreg:s7], $0x5FFFF;
	_ =	strace $0x90000046  }
0xb2: {  	s29 =	simm.s32 $0x9;
	_ =	strace $0x80000048  }
0xb3: {  	_ =	swait.ge [sflag:s29], $0x1  }
0xb4: {  	[sflag:s29] =	ssyncadd.s32 $0xFFFFFFFF  }
0xb5: {  	_ =	strace $0x90000048  }
0xb6: {  	_ =	sfence  }
0xb7: {  	s30 =	sld [smem:$0x0];
	_ =	sdelay $0x2  }
0xb8: {  	s31 =	sshll.u32 s1, $0xD;
	s1 =	sshrl.u32 s1, $0x2  }
0xb9: {  	s3 =	sand.u32 $0x4000, s31;
	s1 =	sadd.s32 s1, s30  }
0xba: {  	s0 =	sor.u32 s3, s0;
	s1 =	sshll.u32 s1, $0x11  }
0xbb: {  	s0 =	sor.u32 s1, s0  }
0xbc: {  	s0 =	sadd.s32 $0x8F2B, s0  }
0xbd: {  	[sflag:s0] =	ssyncadd.remote.s32 $0x1  }
0xbe: {  	_ =	sfence.sel $0xFFFF  }
0xbf: {  	[dreg:$0x0] =	wrdreg $0xFFFFFFFF;
	(pc) =	sbr.abs _section_cstart, $3  }
0xc0: {  	[dreg:$0x1] =	wrdreg $0xFFFFFFFF  }
0xc1: {  	_ =	task.clear_ibuf [dreg:s7], $0x2FFFF;
	_ =	strace $0x9FFFFFFF  }
0xc2: {  	(tm) =	ssettm $0x7FFFFFFF  }
0xc3: {  	_ =	shalt  }
tec
execute0_lowered:
.L_overlay_start_1:
0x0: {  	(tag) =	ssettag $0x1  }
0x1: {  	s3 =	rddreg [dreg:$0x0];
	s1 =	srdreg.scid  }
0x2: {  	s0 =	stileid.u32;
	s5 =	rddreg [dreg:$0x1]  }
0x3: {  	s2 =	simm.s32 $0x0;
	s9 =	simm.s32 $0x280;
	s10 =	simm.s32 $0x2280  }
0x4: {  	s11 =	simm.s32 $0x100;
	s12 =	simm.s32 $0x4280;
	s13 =	simm.s32 $0x180  }
0x5: {  	s14 =	simm.s32 $0x6280;
	s15 =	simm.s32 $0x200;
	s16 =	simm.s32 $0x8280  }
0x6: {  	s17 =	simm.s32 $0x1;
	s18 =	simm.s32 $0xA280;
	s19 =	simm.s32 $0x0  }
0x7: {  	s4 =	sand.u32 $0x1, s1;
	s6 =	sshll.u32 s0, $0x1;
	s1 =	rddreg [dreg:$0x2]  }
0x8: {  	[smem:$0x7FF] =	sst s2;
	s6 =	sor.u32 s4, s6;
	s4 =	ssub.s32 $0x2, s4  }
0x9: {  	s7 =	smul.u32 $0x50, s6;
	s8 =	sshrl.u32 s4, $0x1;
	s6 =	sshll.u32 s6, $0x8  }
0xa: {  	_ =	strace $0x80000047;
	s8 =	ssub.s32 s4, s8;
	s5 =	sadd.s32 s5, s6  }
0xb: {  	s7 =	sadd.s32 s7, s3;
	s3 =	sadd.s32 $0x2E00, s3;
	s6 =	smax.u32 s8, $0x1  }
0xc: {  	s8 =	simm.s32 $0x80;
	s4 =	sadd.s32 $0x2400, s7;
	s7 =	simm.s32 $0x2  }
.LBB2_1:
0xd: {  	[tilespmem:s2], [sflag:$0x2] =	stream.linear.gather [hbm4b:s4+s2], $0x280, $0x38;
	[tilespmem:$0xAA80] =	vst v63  }
0xe: {  	_ =	swait.ge [sflag:s7], $0x280  }
0xf: {  	[sflag:s7] =	ssyncset.done $0x0  }
0x10: {  	[sflag:s7] =	ssyncadd.s32 $0xFFFFFD80  }
0x11: {  	[tilespmem:s9], [sflag:$0x1] =	stream.indirect.gather [hbm4b:s3+s8], $0x40, s2, s8, $0xb8;
	[tilespmem:$0xAA80] =	vst v63  }
0x12: {  	_ = 	snop  }
0x13: {  	[tilespmem:s10], [sflag:$0x1] =	stream.indirect.gather [hbm4b:s3+s8], $0x40, s8, s8, $0xb8;
	[tilespmem:$0xAA80] =	vst v63  }
0x14: {  	_ = 	snop  }
0x15: {  	[tilespmem:s12], [sflag:$0x1] =	stream.indirect.gather [hbm4b:s3+s8], $0x40, s11, s8, $0xb8;
	[tilespmem:$0xAA80] =	vst v63  }
0x16: {  	_ = 	snop  }
0x17: {  	[tilespmem:s14], [sflag:$0x1] =	stream.indirect.gather [hbm4b:s3+s8], $0x40, s13, s8, $0xb8;
	[tilespmem:$0xAA80] =	vst v63  }
0x18: {  	_ = 	snop  }
0x19: {  	[tilespmem:s16], [sflag:$0x1] =	stream.indirect.gather [hbm4b:s3+s8], $0x40, s15, s8, $0xb8;
	[tilespmem:$0xAA80] =	vst v63  }
0x1a: {  	_ =	swait.ge [sflag:s17], $0x2000  }
0x1b: {  	[sflag:s17] =	ssyncset.done $0x0  }
0x1c: {  	[sflag:s17] =	ssyncadd.s32 $0xFFFFE000  }
0x1d: {  	_ =	swait.ge [sflag:s17], $0x2000  }
0x1e: {  	[sflag:s17] =	ssyncset.done $0x0  }
0x1f: {  	[sflag:s17] =	ssyncadd.s32 $0xFFFFE000  }
0x20: {  	_ =	swait.ge [sflag:s17], $0x2000  }
0x21: {  	[sflag:s17] =	ssyncset.done $0x0  }
0x22: {  	[sflag:s17] =	ssyncadd.s32 $0xFFFFE000  }
0x23: {  	_ =	swait.ge [sflag:s17], $0x2000  }
0x24: {  	[sflag:s17] =	ssyncset.done $0x0  }
0x25: {  	[sflag:s17] =	ssyncadd.s32 $0xFFFFE000  }
0x26: {  	_ =	swait.ge [sflag:s17], $0x2000  }
0x27: {  	[sflag:s17] =	ssyncset.done $0x0  }
0x28: {  	s20 =	simm.s32 $0x500;
	[sflag:s17] =	ssyncadd.s32 $0xFFFFE000  }
0x29: {  	v0 =	vld [tilespmem:s20+$0xFFFFFDC0]  }
0x2a: {  	v1 =	vld [tilespmem:s20+$0xFFFFFD80];
	_ =	sdelay $0x1  }
0x2b: {  	v2 =	vld [tilespmem:s20+$0xFFFFFE00];
	_ =	sdelay $0x1  }
0x2c: {  	v3 =	vld [tilespmem:s20+$0xFFFFFE40]  }
0x2d: {  	v0 =	vadd.f32 v0, v1  }
0x2e: {  	v1 =	vld [tilespmem:s20+$0xFFFFFE80]  }
0x2f: {  	v0 =	vadd.f32 v2, v0  }
0x30: {  	v2 =	vld [tilespmem:s20+$0xFFFFFEC0]  }
0x31: {  	v0 =	vadd.f32 v3, v0  }
0x32: {  	v3 =	vld [tilespmem:s20+$0xFFFFFF00]  }
0x33: {  	v0 =	vadd.f32 v1, v0  }
0x34: {  	v1 =	vld [tilespmem:s20+$0xFFFFFF40]  }
0x35: {  	v0 =	vadd.f32 v2, v0  }
0x36: {  	v2 =	vld [tilespmem:s20+$0xFFFFFF80]  }
0x37: {  	v0 =	vadd.f32 v3, v0  }
0x38: {  	v3 =	vld [tilespmem:s20+$0xFFFFFFC0]  }
0x39: {  	v0 =	vadd.f32 v1, v0  }
0x3a: {  	v1 =	vld [tilespmem:s20+$0x0]  }
0x3b: {  	v0 =	vadd.f32 v2, v0  }
0x3c: {  	v2 =	vld [tilespmem:s20+$0x40]  }
0x3d: {  	v0 =	vadd.f32 v3, v0  }
0x3e: {  	v3 =	vld [tilespmem:s20+$0x80]  }
0x3f: {  	v0 =	vadd.f32 v1, v0  }
0x40: {  	v1 =	vld [tilespmem:s20+$0xC0]  }
0x41: {  	v0 =	vadd.f32 v2, v0  }
0x42: {  	v2 =	vld [tilespmem:s20+$0x100]  }
0x43: {  	v0 =	vadd.f32 v3, v0  }
0x44: {  	v3 =	vld [tilespmem:s20+$0x140]  }
0x45: {  	v0 =	vadd.f32 v1, v0  }
0x46: {  	v1 =	vld [tilespmem:s20+$0x180]  }
0x47: {  	v0 =	vadd.f32 v2, v0  }
0x48: {  	v2 =	vld [tilespmem:s20+$0x1C0]  }
0x49: {  	v0 =	vadd.f32 v3, v0  }
0x4a: {  	v3 =	vld [tilespmem:s20+$0x200]  }
0x4b: {  	v0 =	vadd.f32 v1, v0  }
0x4c: {  	v1 =	vld [tilespmem:s20+$0x240]  }
0x4d: {  	v0 =	vadd.f32 v2, v0;
	_ =	sdelay $0x1  }
0x4e: {  	v0 =	vadd.f32 v3, v0;
	_ =	sdelay $0x1  }
0x4f: {  	v0 =	vadd.f32 v1, v0  }
0x50: {  	s21 =	simm.s32 $0x0  }
0x51: {  	[tilespmem:s21+$0xA280] =	vst v0  }
0x52: {  	v0 =	vld [tilespmem:s20+$0xFFFFFD90]  }
0x53: {  	v1 =	vld [tilespmem:s20+$0xFFFFFDD0];
	_ =	sdelay $0x1  }
0x54: {  	v2 =	vld [tilespmem:s20+$0xFFFFFE10];
	_ =	sdelay $0x1  }
0x55: {  	v3 =	vld [tilespmem:s20+$0xFFFFFE50]  }
0x56: {  	v0 =	vadd.f32 v1, v0  }
0x57: {  	v1 =	vld [tilespmem:s20+$0xFFFFFE90]  }
0x58: {  	v0 =	vadd.f32 v2, v0  }
0x59: {  	v2 =	vld [tilespmem:s20+$0xFFFFFED0]  }
0x5a: {  	v0 =	vadd.f32 v3, v0  }
0x5b: {  	v3 =	vld [tilespmem:s20+$0xFFFFFF10]  }
0x5c: {  	v0 =	vadd.f32 v1, v0  }
0x5d: {  	v1 =	vld [tilespmem:s20+$0xFFFFFF50]  }
0x5e: {  	v0 =	vadd.f32 v2, v0  }
0x5f: {  	v2 =	vld [tilespmem:s20+$0xFFFFFF90]  }
0x60: {  	v0 =	vadd.f32 v3, v0  }
0x61: {  	v3 =	vld [tilespmem:s20+$0xFFFFFFD0]  }
0x62: {  	v0 =	vadd.f32 v1, v0  }
0x63: {  	v1 =	vld [tilespmem:s20+$0x10]  }
0x64: {  	v0 =	vadd.f32 v2, v0  }
0x65: {  	v2 =	vld [tilespmem:s20+$0x50]  }
0x66: {  	v0 =	vadd.f32 v3, v0  }
0x67: {  	v3 =	vld [tilespmem:s20+$0x90]  }
0x68: {  	v0 =	vadd.f32 v1, v0  }
0x69: {  	v1 =	vld [tilespmem:s20+$0xD0]  }
0x6a: {  	v0 =	vadd.f32 v2, v0  }
0x6b: {  	v2 =	vld [tilespmem:s20+$0x110]  }
0x6c: {  	v0 =	vadd.f32 v3, v0  }
0x6d: {  	v3 =	vld [tilespmem:s20+$0x150]  }
0x6e: {  	v0 =	vadd.f32 v1, v0  }
0x6f: {  	v1 =	vld [tilespmem:s20+$0x190]  }
0x70: {  	v0 =	vadd.f32 v2, v0  }
0x71: {  	v2 =	vld [tilespmem:s20+$0x1D0]  }
0x72: {  	v0 =	vadd.f32 v3, v0  }
0x73: {  	v3 =	vld [tilespmem:s20+$0x210]  }
0x74: {  	v0 =	vadd.f32 v1, v0  }
0x75: {  	v1 =	vld [tilespmem:s20+$0x250]  }
0x76: {  	v0 =	vadd.f32 v2, v0;
	_ =	sdelay $0x1  }
0x77: {  	v0 =	vadd.f32 v3, v0;
	_ =	sdelay $0x1  }
0x78: {  	v0 =	vadd.f32 v1, v0;
	_ =	sdelay $0x1  }
0x79: {  	[tilespmem:s21+$0xA290] =	vst v0  }
0x7a: {  	v0 =	vld [tilespmem:s20+$0xFFFFFDA0]  }
0x7b: {  	v1 =	vld [tilespmem:s20+$0xFFFFFDE0];
	_ =	sdelay $0x1  }
0x7c: {  	v2 =	vld [tilespmem:s20+$0xFFFFFE20];
	_ =	sdelay $0x1  }
0x7d: {  	v3 =	vld [tilespmem:s20+$0xFFFFFE60]  }
0x7e: {  	v0 =	vadd.f32 v1, v0  }
0x7f: {  	v1 =	vld [tilespmem:s20+$0xFFFFFEA0]  }
0x80: {  	v0 =	vadd.f32 v2, v0  }
0x81: {  	v2 =	vld [tilespmem:s20+$0xFFFFFEE0]  }
0x82: {  	v0 =	vadd.f32 v3, v0  }
0x83: {  	v3 =	vld [tilespmem:s20+$0xFFFFFF20]  }
0x84: {  	v0 =	vadd.f32 v1, v0  }
0x85: {  	v1 =	vld [tilespmem:s20+$0xFFFFFF60]  }
0x86: {  	v0 =	vadd.f32 v2, v0  }
0x87: {  	v2 =	vld [tilespmem:s20+$0xFFFFFFA0]  }
0x88: {  	v0 =	vadd.f32 v3, v0  }
0x89: {  	v3 =	vld [tilespmem:s20+$0xFFFFFFE0]  }
0x8a: {  	v0 =	vadd.f32 v1, v0  }
0x8b: {  	v1 =	vld [tilespmem:s20+$0x20]  }
0x8c: {  	v0 =	vadd.f32 v2, v0  }
0x8d: {  	v2 =	vld [tilespmem:s20+$0x60]  }
0x8e: {  	v0 =	vadd.f32 v3, v0  }
0x8f: {  	v3 =	vld [tilespmem:s20+$0xA0]  }
0x90: {  	v0 =	vadd.f32 v1, v0  }
0x91: {  	v1 =	vld [tilespmem:s20+$0xE0]  }
0x92: {  	v0 =	vadd.f32 v2, v0  }
0x93: {  	v2 =	vld [tilespmem:s20+$0x120]  }
0x94: {  	v0 =	vadd.f32 v3, v0  }
0x95: {  	v3 =	vld [tilespmem:s20+$0x160]  }
0x96: {  	v0 =	vadd.f32 v1, v0  }
0x97: {  	v1 =	vld [tilespmem:s20+$0x1A0]  }
0x98: {  	v0 =	vadd.f32 v2, v0  }
0x99: {  	v2 =	vld [tilespmem:s20+$0x1E0]  }
0x9a: {  	v0 =	vadd.f32 v3, v0  }
0x9b: {  	v3 =	vld [tilespmem:s20+$0x220]  }
0x9c: {  	v0 =	vadd.f32 v1, v0  }
0x9d: {  	v1 =	vld [tilespmem:s20+$0x260]  }
0x9e: {  	v0 =	vadd.f32 v2, v0;
	_ =	sdelay $0x1  }
0x9f: {  	v0 =	vadd.f32 v3, v0;
	_ =	sdelay $0x1  }
0xa0: {  	v0 =	vadd.f32 v1, v0;
	_ =	sdelay $0x1  }
0xa1: {  	[tilespmem:s21+$0xA2A0] =	vst v0  }
0xa2: {  	v0 =	vld [tilespmem:s20+$0xFFFFFDB0]  }
0xa3: {  	v1 =	vld [tilespmem:s20+$0xFFFFFDF0];
	_ =	sdelay $0x1  }
0xa4: {  	v2 =	vld [tilespmem:s20+$0xFFFFFE30];
	_ =	sdelay $0x1  }
0xa5: {  	v3 =	vld [tilespmem:s20+$0xFFFFFE70]  }
0xa6: {  	v0 =	vadd.f32 v1, v0  }
0xa7: {  	v1 =	vld [tilespmem:s20+$0xFFFFFEB0]  }
0xa8: {  	v0 =	vadd.f32 v2, v0  }
0xa9: {  	v2 =	vld [tilespmem:s20+$0xFFFFFEF0]  }
0xaa: {  	v0 =	vadd.f32 v3, v0  }
0xab: {  	v3 =	vld [tilespmem:s20+$0xFFFFFF30]  }
0xac: {  	v0 =	vadd.f32 v1, v0  }
0xad: {  	v1 =	vld [tilespmem:s20+$0xFFFFFF70]  }
0xae: {  	v0 =	vadd.f32 v2, v0  }
0xaf: {  	v2 =	vld [tilespmem:s20+$0xFFFFFFB0]  }
0xb0: {  	v0 =	vadd.f32 v3, v0  }
0xb1: {  	v3 =	vld [tilespmem:s20+$0xFFFFFFF0]  }
0xb2: {  	v0 =	vadd.f32 v1, v0  }
0xb3: {  	v1 =	vld [tilespmem:s20+$0x30]  }
0xb4: {  	v0 =	vadd.f32 v2, v0  }
0xb5: {  	v2 =	vld [tilespmem:s20+$0x70]  }
0xb6: {  	v0 =	vadd.f32 v3, v0  }
0xb7: {  	v3 =	vld [tilespmem:s20+$0xB0]  }
0xb8: {  	v0 =	vadd.f32 v1, v0  }
0xb9: {  	v1 =	vld [tilespmem:s20+$0xF0]  }
0xba: {  	v0 =	vadd.f32 v2, v0  }
0xbb: {  	v2 =	vld [tilespmem:s20+$0x130]  }
0xbc: {  	v0 =	vadd.f32 v3, v0  }
0xbd: {  	v3 =	vld [tilespmem:s20+$0x170]  }
0xbe: {  	v0 =	vadd.f32 v1, v0  }
0xbf: {  	v1 =	vld [tilespmem:s20+$0x1B0]  }
0xc0: {  	v0 =	vadd.f32 v2, v0;
	_ =	sdelay $0x1  }
0xc1: {  	v2 =	vld [tilespmem:s20+$0x1F0];
	v0 =	vadd.f32 v3, v0;
	_ =	sdelay $0x1  }
0xc2: {  	v3 =	vadd.f32 v1, v0;
	v1 =	vld [tilespmem:s20+$0x230];
	_ =	sdelay $0x1  }
0xc3: {  	v0 =	vld [tilespmem:s20+$0x270]  }
0xc4: {  	s22 =	simm.s32 $0x100;
	v2 =	vadd.f32 v2, v3  }
.LBB2_2:
0xc5: {  	p0 =	sne.s32 s22, $0x1F00  }
0xc6: {  	s20 =	sadd.s32 $0x500, s20;
	s23 =	smov.u32 s22;
	s22 =	sadd.s32 $0x100, s22;
	v1 =	vadd.f32 v1, v2  }
0xc7: {  	_ = 	snop  }
0xc8: {  	v0 =	vadd.f32 v0, v1;
	_ =	sdelay $0x1  }
0xc9: {  	[tilespmem:s21+$0xA2B0] =	vst v0  }
0xca: {  	v0 =	vld [tilespmem:s20+$0xFFFFFDC0]  }
0xcb: {  	v1 =	vld [tilespmem:s20+$0xFFFFFD80];
	_ =	sdelay $0x1  }
0xcc: {  	v2 =	vld [tilespmem:s20+$0xFFFFFE00];
	_ =	sdelay $0x1  }
0xcd: {  	v3 =	vld [tilespmem:s20+$0xFFFFFE40]  }
0xce: {  	v0 =	vadd.f32 v0, v1  }
0xcf: {  	v1 =	vld [tilespmem:s20+$0xFFFFFE80]  }
0xd0: {  	v0 =	vadd.f32 v2, v0  }
0xd1: {  	v2 =	vld [tilespmem:s20+$0xFFFFFEC0]  }
0xd2: {  	v0 =	vadd.f32 v3, v0  }
0xd3: {  	v3 =	vld [tilespmem:s20+$0xFFFFFF00]  }
0xd4: {  	v0 =	vadd.f32 v1, v0  }
0xd5: {  	v1 =	vld [tilespmem:s20+$0xFFFFFF40]  }
0xd6: {  	v0 =	vadd.f32 v2, v0  }
0xd7: {  	v2 =	vld [tilespmem:s20+$0xFFFFFF80]  }
0xd8: {  	v0 =	vadd.f32 v3, v0  }
0xd9: {  	v3 =	vld [tilespmem:s20+$0xFFFFFFC0]  }
0xda: {  	v0 =	vadd.f32 v1, v0  }
0xdb: {  	v1 =	vld [tilespmem:s20+$0x0]  }
0xdc: {  	v0 =	vadd.f32 v2, v0  }
0xdd: {  	v2 =	vld [tilespmem:s20+$0x40]  }
0xde: {  	v0 =	vadd.f32 v3, v0  }
0xdf: {  	v3 =	vld [tilespmem:s20+$0x80]  }
0xe0: {  	v0 =	vadd.f32 v1, v0  }
0xe1: {  	v1 =	vld [tilespmem:s20+$0xC0]  }
0xe2: {  	v0 =	vadd.f32 v2, v0  }
0xe3: {  	v2 =	vld [tilespmem:s20+$0x100]  }
0xe4: {  	v0 =	vadd.f32 v3, v0  }
0xe5: {  	v3 =	vld [tilespmem:s20+$0x140]  }
0xe6: {  	v0 =	vadd.f32 v1, v0  }
0xe7: {  	v1 =	vld [tilespmem:s20+$0x180]  }
0xe8: {  	v0 =	vadd.f32 v2, v0  }
0xe9: {  	v2 =	vld [tilespmem:s20+$0x1C0]  }
0xea: {  	v0 =	vadd.f32 v3, v0  }
0xeb: {  	v3 =	vld [tilespmem:s20+$0x200]  }
0xec: {  	v0 =	vadd.f32 v1, v0  }
0xed: {  	v1 =	vld [tilespmem:s20+$0x240]  }
0xee: {  	v0 =	vadd.f32 v2, v0;
	_ =	sdelay $0x1  }
0xef: {  	v0 =	vadd.f32 v3, v0;
	_ =	sdelay $0x1  }
0xf0: {  	v0 =	vadd.f32 v1, v0  }
0xf1: {  	s21 =	sshra.s32 s23, $0x2  }
0xf2: {  	[tilespmem:s21+$0xA280] =	vst v0  }
0xf3: {  	v0 =	vld [tilespmem:s20+$0xFFFFFD90]  }
0xf4: {  	v1 =	vld [tilespmem:s20+$0xFFFFFDD0];
	_ =	sdelay $0x1  }
0xf5: {  	v2 =	vld [tilespmem:s20+$0xFFFFFE10];
	_ =	sdelay $0x1  }
0xf6: {  	v3 =	vld [tilespmem:s20+$0xFFFFFE50]  }
0xf7: {  	v0 =	vadd.f32 v1, v0  }
0xf8: {  	v1 =	vld [tilespmem:s20+$0xFFFFFE90]  }
0xf9: {  	v0 =	vadd.f32 v2, v0  }
0xfa: {  	v2 =	vld [tilespmem:s20+$0xFFFFFED0]  }
0xfb: {  	v0 =	vadd.f32 v3, v0  }
0xfc: {  	v3 =	vld [tilespmem:s20+$0xFFFFFF10]  }
0xfd: {  	v0 =	vadd.f32 v1, v0  }
0xfe: {  	v1 =	vld [tilespmem:s20+$0xFFFFFF50]  }
0xff: {  	v0 =	vadd.f32 v2, v0  }
0x100: {  	v2 =	vld [tilespmem:s20+$0xFFFFFF90]  }
0x101: {  	v0 =	vadd.f32 v3, v0  }
0x102: {  	v3 =	vld [tilespmem:s20+$0xFFFFFFD0]  }
0x103: {  	v0 =	vadd.f32 v1, v0  }
0x104: {  	v1 =	vld [tilespmem:s20+$0x10]  }
0x105: {  	v0 =	vadd.f32 v2, v0  }
0x106: {  	v2 =	vld [tilespmem:s20+$0x50]  }
0x107: {  	v0 =	vadd.f32 v3, v0  }
0x108: {  	v3 =	vld [tilespmem:s20+$0x90]  }
0x109: {  	v0 =	vadd.f32 v1, v0  }
0x10a: {  	v1 =	vld [tilespmem:s20+$0xD0]  }
0x10b: {  	v0 =	vadd.f32 v2, v0  }
0x10c: {  	v2 =	vld [tilespmem:s20+$0x110]  }
0x10d: {  	v0 =	vadd.f32 v3, v0  }
0x10e: {  	v3 =	vld [tilespmem:s20+$0x150]  }
0x10f: {  	v0 =	vadd.f32 v1, v0  }
0x110: {  	v1 =	vld [tilespmem:s20+$0x190]  }
0x111: {  	v0 =	vadd.f32 v2, v0  }
0x112: {  	v2 =	vld [tilespmem:s20+$0x1D0]  }
0x113: {  	v0 =	vadd.f32 v3, v0  }
0x114: {  	v3 =	vld [tilespmem:s20+$0x210]  }
0x115: {  	v0 =	vadd.f32 v1, v0  }
0x116: {  	v1 =	vld [tilespmem:s20+$0x250]  }
0x117: {  	v0 =	vadd.f32 v2, v0;
	_ =	sdelay $0x1  }
0x118: {  	v0 =	vadd.f32 v3, v0;
	_ =	sdelay $0x1  }
0x119: {  	v0 =	vadd.f32 v1, v0;
	_ =	sdelay $0x1  }
0x11a: {  	[tilespmem:s21+$0xA290] =	vst v0  }
0x11b: {  	v0 =	vld [tilespmem:s20+$0xFFFFFDA0]  }
0x11c: {  	v1 =	vld [tilespmem:s20+$0xFFFFFDE0];
	_ =	sdelay $0x1  }
0x11d: {  	v2 =	vld [tilespmem:s20+$0xFFFFFE20];
	_ =	sdelay $0x1  }
0x11e: {  	v3 =	vld [tilespmem:s20+$0xFFFFFE60]  }
0x11f: {  	v0 =	vadd.f32 v1, v0  }
0x120: {  	v1 =	vld [tilespmem:s20+$0xFFFFFEA0]  }
0x121: {  	v0 =	vadd.f32 v2, v0  }
0x122: {  	v2 =	vld [tilespmem:s20+$0xFFFFFEE0]  }
0x123: {  	v0 =	vadd.f32 v3, v0  }
0x124: {  	v3 =	vld [tilespmem:s20+$0xFFFFFF20]  }
0x125: {  	v0 =	vadd.f32 v1, v0  }
0x126: {  	v1 =	vld [tilespmem:s20+$0xFFFFFF60]  }
0x127: {  	v0 =	vadd.f32 v2, v0  }
0x128: {  	v2 =	vld [tilespmem:s20+$0xFFFFFFA0]  }
0x129: {  	v0 =	vadd.f32 v3, v0  }
0x12a: {  	v3 =	vld [tilespmem:s20+$0xFFFFFFE0]  }
0x12b: {  	v0 =	vadd.f32 v1, v0  }
0x12c: {  	v1 =	vld [tilespmem:s20+$0x20]  }
0x12d: {  	v0 =	vadd.f32 v2, v0  }
0x12e: {  	v2 =	vld [tilespmem:s20+$0x60]  }
0x12f: {  	v0 =	vadd.f32 v3, v0  }
0x130: {  	v3 =	vld [tilespmem:s20+$0xA0]  }
0x131: {  	v0 =	vadd.f32 v1, v0  }
0x132: {  	v1 =	vld [tilespmem:s20+$0xE0]  }
0x133: {  	v0 =	vadd.f32 v2, v0  }
0x134: {  	v2 =	vld [tilespmem:s20+$0x120]  }
0x135: {  	v0 =	vadd.f32 v3, v0  }
0x136: {  	v3 =	vld [tilespmem:s20+$0x160]  }
0x137: {  	v0 =	vadd.f32 v1, v0  }
0x138: {  	v1 =	vld [tilespmem:s20+$0x1A0]  }
0x139: {  	v0 =	vadd.f32 v2, v0  }
0x13a: {  	v2 =	vld [tilespmem:s20+$0x1E0]  }
0x13b: {  	v0 =	vadd.f32 v3, v0  }
0x13c: {  	v3 =	vld [tilespmem:s20+$0x220]  }
0x13d: {  	v0 =	vadd.f32 v1, v0  }
0x13e: {  	v1 =	vld [tilespmem:s20+$0x260]  }
0x13f: {  	v0 =	vadd.f32 v2, v0;
	_ =	sdelay $0x1  }
0x140: {  	v0 =	vadd.f32 v3, v0;
	_ =	sdelay $0x1  }
0x141: {  	v0 =	vadd.f32 v1, v0;
	_ =	sdelay $0x1  }
0x142: {  	[tilespmem:s21+$0xA2A0] =	vst v0  }
0x143: {  	v0 =	vld [tilespmem:s20+$0xFFFFFDB0]  }
0x144: {  	v1 =	vld [tilespmem:s20+$0xFFFFFDF0]  }
0x145: {  	v2 =	vld [tilespmem:s20+$0xFFFFFE30]  }
0x146: {  	v3 =	vld [tilespmem:s20+$0xFFFFFE70]  }
0x147: {  	v4 =	vld [tilespmem:s20+$0xFFFFFEB0]  }
0x148: {  	v5 =	vld [tilespmem:s20+$0xFFFFFEF0]  }
0x149: {  	v0 =	vadd.f32 v1, v0;
	v1 =	vld [tilespmem:s20+$0xFFFFFF30]  }
0x14a: {  	v6 =	vld [tilespmem:s20+$0xFFFFFF70]  }
0x14b: {  	v0 =	vadd.f32 v2, v0;
	v2 =	vld [tilespmem:s20+$0xFFFFFFB0]  }
0x14c: {  	v7 =	vld [tilespmem:s20+$0xFFFFFFF0]  }
0x14d: {  	v0 =	vadd.f32 v3, v0;
	v3 =	vld [tilespmem:s20+$0x30]  }
0x14e: {  	v8 =	vld [tilespmem:s20+$0x70]  }
0x14f: {  	v0 =	vadd.f32 v4, v0;
	v4 =	vld [tilespmem:s20+$0xB0]  }
0x150: {  	v9 =	vld [tilespmem:s20+$0xF0]  }
0x151: {  	v0 =	vadd.f32 v5, v0;
	v5 =	vld [tilespmem:s20+$0x130]  }
0x152: {  	v10 =	vld [tilespmem:s20+$0x170]  }
0x153: {  	v0 =	vadd.f32 v1, v0;
	v11 =	vld [tilespmem:s20+$0x1B0]  }
0x154: {  	v12 =	vld [tilespmem:s20+$0x1F0]  }
0x155: {  	v6 =	vadd.f32 v6, v0;
	v1 =	vld [tilespmem:s20+$0x230]  }
0x156: {  	v0 =	vld [tilespmem:s20+$0x270]  }
0x157: {  	v2 =	vadd.f32 v2, v6;
	_ =	sdelay $0x1  }
0x158: {  	v2 =	vadd.f32 v7, v2;
	_ =	sdelay $0x1  }
0x159: {  	v2 =	vadd.f32 v3, v2;
	_ =	sdelay $0x1  }
0x15a: {  	v2 =	vadd.f32 v8, v2;
	_ =	sdelay $0x1  }
0x15b: {  	v2 =	vadd.f32 v4, v2;
	_ =	sdelay $0x1  }
0x15c: {  	v2 =	vadd.f32 v9, v2;
	_ =	sdelay $0x1  }
0x15d: {  	v2 =	vadd.f32 v5, v2;
	_ =	sdelay $0x1  }
.Ltmp0:
0x15e: {  	v2 =	vadd.f32 v10, v2;
	(pc) =	sbr.rel @p0 .LBB2_2-.Ltmp0, $3  }
0x15f: {  	_ = 	snop  }
0x160: {  	v2 =	vadd.f32 v11, v2;
	_ =	sdelay $0x1  }
0x161: {  	v2 =	vadd.f32 v12, v2  }
0x162: {  	_ = 	snop  }
0x163: {  	v1 =	vadd.f32 v1, v2;
	_ =	sdelay $0x1  }
0x164: {  	s19 =	sadd.s32 $0x1, s19;
	v0 =	vadd.f32 v0, v1  }
0x165: {  	p0 =	sne.s32 s19, s6  }
.Ltmp1:
0x166: {  	[tilespmem:s21+$0xA2B0] =	vst v0;
	(pc) =	sbr.rel @p0 .LBB2_1-.Ltmp1, $4  }
0x167: {  	[hbm4b:s5+s2] =	stream.linear.scatter [tilespmem:s18], [sflag:$0x2], $0x800, $0x38;
	[tilespmem:$0xAA80] =	vst v63  }
0x168: {  	_ =	swait.ge [sflag:s7], $0x800  }
0x169: {  	[sflag:s7] =	ssyncset.done $0x0  }
0x16a: {  	[sflag:s7] =	ssyncadd.s32 $0xFFFFF800  }
0x16b: {  	_ =	sfence.sel $0x180000  }
0x16c: {  	[bflag:$0x0] =	sbarrier.arrive $0xFFFF  }
0x16d: {  	p0 =	sne.s32 s0, $0x0;
	_ =	strace $0x90000047  }
0x16e: {  	s0 =	sadd.s32 @!p0 $0x100000, s1;
	[bflag:$0x2] =	sbarrier.arrive $0xFFFF  }
0x16f: {  	[sflag:s0] =	ssyncadd.tile.s32 @!p0 $0x1;
	_ =	shalt  }
.Lfunc_end2:
_tile_overlayer_lowered:
.L_overlay_start_2:
0x170: {  	(tag) =	ssettag $0x2  }
0x171: {  	s0 =	rddreg [dreg:$0x0];
	s2 =	stileid.u32  }
0x172: {  	s1 =	rddreg [dreg:$0x1];
	p0 =	sne.s32 s2, $0x0  }
0x173: {  	s3 =	rddreg [dreg:$0x2];
	[bflag:$0x3] =	sbarrier.arrive $0xFFFF;
	s2 =	simm.s32 @!p0 $0x1C02  }
0x174: {  	[timem:s3], [sflag:s2] =	dma.local @!p0 [hbm:s0], s1  }
0x175: {  	s0 =	simm.s32 @!p0 $0x2  }
0x176: {  	_ =	swait.ge @!p0 [sflag:s0], s1  }
0x177: {  	s1 =	ssub.s32 @!p0 $0x0, s1;
	[sflag:s0] =	ssyncset.done @!p0 $0x0  }
0x178: {  	[sflag:s0] =	ssyncadd.s32 @!p0 s1  }
0x179: {  	[bflag:$0x3] =	sbarrier.arrive $0xFFFF  }
0x17a: {  	_ =	shalt  }

</sc_bundles>
